<compile_context>
chip_gen: v7x
topology: tpu7x:2x2x1
jax: 0.10.2.dev20260603
libtpu: 0.0.44.dev20260713+nightly
codegen_flags: <defaults>
</compile_context>

<pallas_src>
import jax
import jax.numpy as jnp
from jax import lax
from jax.experimental import pallas as pl
from jax.experimental.pallas import tpu as pltpu
from jax.experimental.pallas import tpu_sc as plsc

_NC = 2
_NS = 16
_NW = _NC * _NS
_CH = 128
_KB = 8
_CHB = _KB * _CH
_F = 16


def _make_agg(n, n_pad, kpt, with_deg):
  rows_pt = n_pad // _NS
  mesh = plsc.VectorSubcoreMesh(core_axis_name="c", subcore_axis_name="s")
  out_type = [jax.ShapeDtypeStruct((_NC, n_pad, _F), jnp.float32)]
  scratch = [
      pltpu.VMEM((kpt // _KB, _CHB), jnp.int32),
      pltpu.VMEM((kpt // _KB, _CHB), jnp.int32),
      pltpu.VMEM((_CHB, _F), jnp.float32),
      pltpu.VMEM((_CHB, _F), jnp.float32),
      pltpu.VMEM((rows_pt, _F), jnp.float32),
      pltpu.VMEM_SHARED((n_pad, _F), jnp.float32),
      pltpu.VMEM_SHARED((n_pad, _F), jnp.float32),
      pltpu.SemaphoreType.DMA,
      pltpu.SemaphoreType.DMA,
  ]
  if with_deg:
    out_type.append(jax.ShapeDtypeStruct((_NC, n_pad, _F), jnp.float32))
    scratch += [
        pltpu.VMEM((_CHB, _F), jnp.float32),
        pltpu.VMEM_SHARED((n_pad, _F), jnp.float32),
        pltpu.SemaphoreType.DMA,
    ]

  tail_pt = n - (_NS - 1) * rows_pt

  def body(eix_hbm, tab_hbm, *refs):
    if with_deg:
      (out_hbm, deg_hbm, src_v, dst_v, rows0_v, rows1_v, tmp_v, acc_sh,
       tab_sh, sem0, sem1, ones_v, deg_sh, dsem) = refs
    else:
      (out_hbm, src_v, dst_v, rows0_v, rows1_v, tmp_v, acc_sh, tab_sh,
       sem0, sem1) = refs
    c = lax.axis_index("c")
    s = lax.axis_index("s")
    wid = s * _NC + c
    base = s * rows_pt

    @pl.when(s < _NS - 1)
    def _():
      pltpu.sync_copy(tab_hbm.at[pl.ds(base, rows_pt)], tmp_v)
      pltpu.sync_copy(tmp_v, tab_sh.at[pl.ds(base, rows_pt)])

    @pl.when(s == _NS - 1)
    def _():
      pltpu.sync_copy(tab_hbm.at[pl.ds((_NS - 1) * rows_pt, tail_pt)],
                      tmp_v.at[pl.ds(0, tail_pt)])
      pltpu.sync_copy(tmp_v.at[pl.ds(0, tail_pt)],
                      tab_sh.at[pl.ds((_NS - 1) * rows_pt, tail_pt)])

    zero16 = jnp.zeros((_F,), jnp.float32)

    def zr(i, carry):
      tmp_v[i, :] = zero16
      return carry

    lax.fori_loop(0, rows_pt, zr, 0)
    pltpu.sync_copy(tmp_v, acc_sh.at[pl.ds(base, rows_pt)])
    if with_deg:
      pltpu.sync_copy(tmp_v, deg_sh.at[pl.ds(base, rows_pt)])
      one16 = jnp.ones((_F,), jnp.float32)

      def onr(i, carry):
        ones_v[i, :] = one16
        return carry

      lax.fori_loop(0, _CHB, onr, 0)
    pltpu.sync_copy(eix_hbm.at[0].at[wid], src_v)
    pltpu.sync_copy(eix_hbm.at[1].at[wid], dst_v)
    plsc.subcore_barrier()

    steps = kpt // _KB

    def gidx(j):
      return src_v.at[j]

    def sidx(j):
      return dst_v.at[j]

    pltpu.async_copy(tab_sh.at[gidx(0)], rows0_v, sem0)

    def step(jj, carry):
      j0 = 2 * jj
      j1 = j0 + 1
      j2 = j0 + 2
      pltpu.make_async_copy(tab_sh.at[gidx(j0)], rows0_v, sem0).wait()
      pltpu.async_copy(tab_sh.at[gidx(j1)], rows1_v, sem1)
      pltpu.sync_copy(rows0_v, acc_sh.at[sidx(j0)], add=True)
      if with_deg:
        pltpu.async_copy(ones_v, deg_sh.at[sidx(j0)], dsem, add=True)
      pltpu.make_async_copy(tab_sh.at[gidx(j1)], rows1_v, sem1).wait()

      @pl.when(j2 < steps)
      def _():
        pltpu.async_copy(tab_sh.at[gidx(j2)], rows0_v, sem0)

      pltpu.sync_copy(rows1_v, acc_sh.at[sidx(j1)], add=True)
      if with_deg:
        pltpu.async_copy(ones_v, deg_sh.at[sidx(j1)], dsem, add=True)
      return carry

    lax.fori_loop(0, steps // 2, step, 0)
    if with_deg:

      def drain(j, carry):
        pltpu.make_async_copy(ones_v, deg_sh.at[sidx(0)], dsem).wait()
        return carry

      lax.fori_loop(0, steps, drain, 0)
    plsc.subcore_barrier()

    pltpu.sync_copy(acc_sh.at[pl.ds(base, rows_pt)], tmp_v)
    pltpu.sync_copy(tmp_v, out_hbm.at[c].at[pl.ds(base, rows_pt)])
    if with_deg:
      pltpu.sync_copy(deg_sh.at[pl.ds(base, rows_pt)], tmp_v)
      pltpu.sync_copy(tmp_v, deg_hbm.at[c].at[pl.ds(base, rows_pt)])

  return pl.kernel(
      body, out_type=out_type, mesh=mesh, scratch_types=scratch,
      compiler_params=pltpu.CompilerParams(use_tc_tiling_on_sc=False))


def _make_agg2h(n, n_pad, kpt):
  rows_pt = n_pad // _NS
  mesh = plsc.VectorSubcoreMesh(core_axis_name="c", subcore_axis_name="s")
  out_type = [jax.ShapeDtypeStruct((_NC, n_pad, _F), jnp.float32)]
  scratch = [
      pltpu.VMEM((kpt // _KB, _CHB), jnp.int32),
      pltpu.VMEM((kpt // _KB, _CHB), jnp.int32),
      pltpu.VMEM((_CHB, _F), jnp.float32),
      pltpu.VMEM((_CHB, _F), jnp.float32),
      pltpu.VMEM((rows_pt, _F), jnp.float32),
      pltpu.VMEM((rows_pt, _F), jnp.float32),
      pltpu.VMEM((rows_pt, _F), jnp.float32),
      pltpu.VMEM((rows_pt, _F), jnp.float32),
      pltpu.VMEM((rows_pt, _F), jnp.float32),
      pltpu.VMEM_SHARED((n_pad, _F), jnp.float32),
      pltpu.VMEM_SHARED((n_pad, _F), jnp.float32),
      pltpu.SemaphoreType.DMA,
      pltpu.SemaphoreType.DMA,
  ]

  tail_pt = n - (_NS - 1) * rows_pt

  def body(eix_hbm, p1_hbm, dg_hbm, s1_hbm, out_hbm, src_v, dst_v,
           rows0_v, rows1_v, a_v, pa_v, pb_v, da_v, db_v,
           acc_sh, tab_sh, sem0, sem1):
    c = lax.axis_index("c")
    s = lax.axis_index("s")
    wid = s * _NC + c
    base = s * rows_pt
    my_pt = jnp.where(s == _NS - 1, tail_pt, rows_pt)

    pltpu.async_copy(p1_hbm.at[0].at[pl.ds(base, rows_pt)], pa_v, sem0)
    pltpu.async_copy(p1_hbm.at[1].at[pl.ds(base, rows_pt)], pb_v, sem0)
    pltpu.async_copy(dg_hbm.at[0].at[pl.ds(base, rows_pt)], da_v, sem0)
    pltpu.async_copy(dg_hbm.at[1].at[pl.ds(base, rows_pt)], db_v, sem0)

    @pl.when(s < _NS - 1)
    def _():
      pltpu.async_copy(s1_hbm.at[pl.ds(base, rows_pt)], a_v, sem1)

    @pl.when(s == _NS - 1)
    def _():
      pltpu.async_copy(s1_hbm.at[pl.ds((_NS - 1) * rows_pt, tail_pt)],
                       a_v.at[pl.ds(0, tail_pt)], sem1)

    pltpu.make_async_copy(p1_hbm.at[0].at[pl.ds(base, rows_pt)], pa_v,
                          sem0).wait()
    pltpu.make_async_copy(p1_hbm.at[1].at[pl.ds(base, rows_pt)], pb_v,
                          sem0).wait()
    pltpu.make_async_copy(dg_hbm.at[0].at[pl.ds(base, rows_pt)], da_v,
                          sem0).wait()
    pltpu.make_async_copy(dg_hbm.at[1].at[pl.ds(base, rows_pt)], db_v,
                          sem0).wait()

    @pl.when(s < _NS - 1)
    def _():
      pltpu.make_async_copy(s1_hbm.at[pl.ds(base, rows_pt)], a_v,
                            sem1).wait()

    @pl.when(s == _NS - 1)
    def _():
      pltpu.make_async_copy(s1_hbm.at[pl.ds((_NS - 1) * rows_pt, tail_pt)],
                            a_v.at[pl.ds(0, tail_pt)], sem1).wait()

    zero16 = jnp.zeros((_F,), jnp.float32)

    def huf(i, carry):
      dsum = jnp.maximum(da_v[i, :] + db_v[i, :], 1.0)
      a_v[i, :] = jnp.maximum(
          a_v[i, :] + (pa_v[i, :] + pb_v[i, :]) / dsum, zero16)
      return carry

    lax.fori_loop(0, my_pt, huf, 0)

    @pl.when(s < _NS - 1)
    def _():
      pltpu.sync_copy(a_v, tab_sh.at[pl.ds(base, rows_pt)])

    @pl.when(s == _NS - 1)
    def _():
      pltpu.sync_copy(a_v.at[pl.ds(0, tail_pt)],
                      tab_sh.at[pl.ds((_NS - 1) * rows_pt, tail_pt)])

    def zr(i, carry):
      pa_v[i, :] = zero16
      return carry

    lax.fori_loop(0, rows_pt, zr, 0)
    pltpu.sync_copy(pa_v, acc_sh.at[pl.ds(base, rows_pt)])
    pltpu.sync_copy(eix_hbm.at[0].at[wid], src_v)
    pltpu.sync_copy(eix_hbm.at[1].at[wid], dst_v)
    plsc.subcore_barrier()

    steps = kpt // _KB
    pltpu.async_copy(tab_sh.at[src_v.at[0]], rows0_v, sem0)

    def step(jj, carry):
      j0 = 2 * jj
      j1 = j0 + 1
      j2 = j0 + 2
      pltpu.make_async_copy(tab_sh.at[src_v.at[j0]], rows0_v, sem0).wait()
      pltpu.async_copy(tab_sh.at[src_v.at[j1]], rows1_v, sem1)
      pltpu.sync_copy(rows0_v, acc_sh.at[dst_v.at[j0]], add=True)
      pltpu.make_async_copy(tab_sh.at[src_v.at[j1]], rows1_v, sem1).wait()

      @pl.when(j2 < steps)
      def _():
        pltpu.async_copy(tab_sh.at[src_v.at[j2]], rows0_v, sem0)

      pltpu.sync_copy(rows1_v, acc_sh.at[dst_v.at[j1]], add=True)
      return carry

    lax.fori_loop(0, steps // 2, step, 0)
    plsc.subcore_barrier()

    pltpu.sync_copy(acc_sh.at[pl.ds(base, rows_pt)], pa_v)
    pltpu.sync_copy(pa_v, out_hbm.at[c].at[pl.ds(base, rows_pt)])

  return pl.kernel(
      body, out_type=out_type, mesh=mesh, scratch_types=scratch,
      compiler_params=pltpu.CompilerParams(use_tc_tiling_on_sc=False))



def _dense_in(x, w_l, w_r, b, blk):
  n, d = x.shape
  f = w_l.shape[1]

  def body(x_ref, wl_ref, wr_ref, b_ref, y_ref, s_ref):
    xb = x_ref[...]
    y_ref[...] = jnp.dot(xb, wl_ref[...], preferred_element_type=jnp.float32)
    s_ref[...] = (jnp.dot(xb, wr_ref[...], preferred_element_type=jnp.float32)
                  + b_ref[...])

  return pl.pallas_call(
      body,
      grid=(n // blk,),
      in_specs=[
          pl.BlockSpec((blk, d), lambda i: (i, 0)),
          pl.BlockSpec((d, f), lambda i: (0, 0)),
          pl.BlockSpec((d, f), lambda i: (0, 0)),
          pl.BlockSpec((1, f), lambda i: (0, 0)),
      ],
      out_specs=[
          pl.BlockSpec((blk, f), lambda i: (i, 0)),
          pl.BlockSpec((blk, f), lambda i: (i, 0)),
      ],
      out_shape=[
          jax.ShapeDtypeStruct((n, f), jnp.float32),
          jax.ShapeDtypeStruct((n, f), jnp.float32),
      ],
  )(x, w_l, w_r, b.reshape(1, f))


def _dense_out(p1, dg, p2, s1, w2_l, w2_r, b2, blk):
  n, f = s1.shape
  k = w2_l.shape[1]

  def body(p1_ref, d_ref, p2_ref, s1_ref, wl_ref, wr_ref, b_ref, o_ref):
    deg = jnp.maximum(d_ref[0, :, 0:1] + d_ref[1, :, 0:1], 1.0)
    h = jnp.maximum((p1_ref[0] + p1_ref[1]) / deg + s1_ref[...], 0.0)
    agg = (p2_ref[0] + p2_ref[1]) / deg
    lg = (jnp.dot(agg, wl_ref[...], preferred_element_type=jnp.float32)
          + jnp.dot(h, wr_ref[...], preferred_element_type=jnp.float32)
          + b_ref[...])
    m = jnp.max(lg, axis=1, keepdims=True)
    lse = jnp.log(jnp.sum(jnp.exp(lg - m), axis=1, keepdims=True))
    o_ref[...] = lg - m - lse

  return pl.pallas_call(
      body,
      grid=(n // blk,),
      in_specs=[
          pl.BlockSpec((_NC, blk, _F), lambda i: (0, i, 0)),
          pl.BlockSpec((_NC, blk, _F), lambda i: (0, i, 0)),
          pl.BlockSpec((_NC, blk, _F), lambda i: (0, i, 0)),
          pl.BlockSpec((blk, f), lambda i: (i, 0)),
          pl.BlockSpec((f, k), lambda i: (0, 0)),
          pl.BlockSpec((f, k), lambda i: (0, 0)),
          pl.BlockSpec((1, k), lambda i: (0, 0)),
      ],
      out_specs=pl.BlockSpec((blk, k), lambda i: (i, 0)),
      out_shape=jax.ShapeDtypeStruct((n, k), jnp.float32),
  )(p1, dg, p2, s1, w2_l, w2_r, b2.reshape(1, k))


def kernel(x, edge_index, W1_l, b1_l, W1_r, b1_r, W2_l, b2_l, W2_r, b2_r):
  n = x.shape[0]
  e = edge_index.shape[1]
  blk = 1000

  kpt = -(-e // (_NW * _CH * 2 * _KB)) * 2 * _KB
  e_pad = _NW * _CH * kpt
  n_pad = -(-(n + 1) // (_NS * 8)) * (_NS * 8)

  pad_cols = jnp.concatenate([
      jnp.zeros((1, e_pad - e), jnp.int32),
      jnp.full((1, e_pad - e), n, jnp.int32)])
  eix = jnp.concatenate(
      [edge_index.astype(jnp.int32), pad_cols], axis=1
  ).reshape(2, _NW, kpt // _KB, _CHB)

  y1, s1 = _dense_in(x, W1_l, W1_r, b1_l + b1_r, blk)
  p1, dg = _make_agg(n, n_pad, kpt, True)(eix, y1)
  (p2,) = _make_agg2h(n, n_pad, kpt)(eix, p1, dg, s1)
  return _dense_out(p1, dg, p2, s1, W2_l, W2_r, b2_l + b2_r, blk)

# --- scband reference (transcript-rebuilt; emitter-appended) ---
"""Pipeline reference for scband-sage-7799660610002 (READ-ONLY COPY).

The authoritative reference and input builder live on the scoring server;
editing this copy changes nothing except your own understanding.
"""

import jax, jax.numpy as jnp
import numpy as np

N_NODES = 10000
N_EDGES = 320000
D_FEAT = 128
D_HID = 16
N_CLASSES = 40


def setup_inputs(seed: int = 0) -> dict:
    key = jax.random.key(seed)
    ks = jax.random.split(key, 10)
    x = jax.random.normal(ks[0], (N_NODES, D_FEAT), dtype=jnp.float32)
    edge_index = jax.random.randint(ks[1], (2, N_EDGES), 0, N_NODES, dtype=jnp.int64 if jax.config.jax_enable_x64 else jnp.int32)
    s1 = 1.0 / np.sqrt(D_FEAT)
    s2 = 1.0 / np.sqrt(D_HID)
    W1_l = jax.random.uniform(ks[2], (D_FEAT, D_HID), jnp.float32, -s1, s1)
    b1_l = jnp.zeros((D_HID,), jnp.float32)
    W1_r = jax.random.uniform(ks[3], (D_FEAT, D_HID), jnp.float32, -s1, s1)
    b1_r = jnp.zeros((D_HID,), jnp.float32)
    W2_l = jax.random.uniform(ks[4], (D_HID, N_CLASSES), jnp.float32, -s2, s2)
    b2_l = jnp.zeros((N_CLASSES,), jnp.float32)
    W2_r = jax.random.uniform(ks[5], (D_HID, N_CLASSES), jnp.float32, -s2, s2)
    b2_r = jnp.zeros((N_CLASSES,), jnp.float32)
    return {"x": x, "edge_index": edge_index, "W1_l": W1_l, "b1_l": b1_l, "W1_r": W1_r, "b1_r": b1_r, "W2_l": W2_l, "b2_l": b2_l, "W2_r": W2_r, "b2_r": b2_r}


def _sage_conv(x, edge_index, W_l, b_l, W_r, b_r):
    # PyG SAGEConv (aggr='mean'): out = lin_l(mean_j x_j) + lin_r(x)
    src = edge_index[0]
    dst = edge_index[1]
    msg = jnp.take(x, src, axis=0)                              # gather [E, d]
    agg = jax.ops.segment_sum(msg, dst, num_segments=N_NODES)   # scatter-add [N, d]
    deg = jax.ops.segment_sum(jnp.ones((msg.shape[0],), jnp.float32), dst, num_segments=N_NODES)
    agg = agg / jnp.maximum(deg, 1.0)[:, None]                  # mean aggregation
    return agg @ W_l + b_l + x @ W_r + b_r


def reference(x, edge_index, W1_l, b1_l, W1_r, b1_r, W2_l, b2_l, W2_r, b2_r):
    h = _sage_conv(x, edge_index, W1_l, b1_l, W1_r, b1_r)
    h = jax.nn.relu(h)
    # F.dropout(p=0.5, training=self.training): identity in eval mode
    h = _sage_conv(h, edge_index, W2_l, b2_l, W2_r, b2_r)
    return jax.nn.log_softmax(h, axis=1)

if __name__ == "__main__":
    import jax
    _d = setup_inputs()
    print(jax.jit(kernel)(*tuple(_d.values())))

</pallas_src>

<mosaic_0001>
#map = affine_map<(d0, d1) -> (0, 0, 0, 0)>
#map1 = affine_map<(d0, d1) -> (0, 0)>
#map2 = affine_map<(d0, d1) -> (0, 0, 0)>
module attributes {stable_mosaic.version = 14 : i64} {
  func.func @body(%arg0: i32, %arg1: i32, %arg2: memref<2x32x10x1024xi32, #tpu.memory_space<hbm>>, %arg3: memref<10000x16xf32, #tpu.memory_space<hbm>>, %arg4: memref<2x10112x16xf32, #tpu.memory_space<hbm>>, %arg5: memref<2x10112x16xf32, #tpu.memory_space<hbm>>, %arg6: memref<10x1024xi32, #tpu.memory_space<vmem>>, %arg7: memref<10x1024xi32, #tpu.memory_space<vmem>>, %arg8: memref<1024x16xf32, #tpu.memory_space<vmem>>, %arg9: memref<1024x16xf32, #tpu.memory_space<vmem>>, %arg10: memref<632x16xf32, #tpu.memory_space<vmem>>, %arg11: memref<10112x16xf32, #tpu.memory_space<vmem_shared>>, %arg12: memref<10112x16xf32, #tpu.memory_space<vmem_shared>>, %arg13: memref<!tpu.dma_semaphore, #tpu.memory_space<semaphore_mem>>, %arg14: memref<!tpu.dma_semaphore, #tpu.memory_space<semaphore_mem>>, %arg15: memref<1024x16xf32, #tpu.memory_space<vmem>>, %arg16: memref<10112x16xf32, #tpu.memory_space<vmem_shared>>, %arg17: memref<!tpu.dma_semaphore, #tpu.memory_space<semaphore_mem>>) attributes {dimension_semantics = [#tpu.dimension_semantics<core_parallel>, #tpu.dimension_semantics<subcore_parallel>], iteration_bounds = array<i64: 2, 16>, scalar_prefetch = 0 : i64, scratch_operands = 12 : i64, tpu.core_type = #tpu.core_type<sc_vector_subcore>, window_params = [{transform_indices = #map}, {transform_indices = #map1}, {transform_indices = #map2}, {transform_indices = #map2}]} {
    %mul3A = arith.constant 2 : i32
    %mul3A_0 = arith.muli %arg1, %mul3A : i32
    %add3A = arith.addi %mul3A_0, %arg0 : i32
    %mul3A_1 = arith.constant 632 : i32
    %mul3A_2 = arith.muli %arg1, %mul3A_1 : i32
    %lt3A = arith.constant 15 : i32
    %lt3A_3 = arith.cmpi slt, %arg1, %lt3A : i32
    %convert_element_type3A = arith.extui %lt3A_3 : i1 to i32
    %cond3A = arith.constant 0 : i32
    %cond3A_4 = arith.cmpi ne, %convert_element_type3A, %cond3A : i32
    scf.if %cond3A_4 {
      "tpu.region"() ({
        %run_scoped3A_43 = tpu.sem_alloc : memref<!tpu.dma_semaphore, #tpu.memory_space<semaphore_mem>>
        %dma_start3A_44 = arith.constant 0 : i32
        %dma_start3A_45 = tpu.memref_slice %arg3[%mul3A_2, %dma_start3A_44] : memref<10000x16xf32, #tpu.memory_space<hbm>> -> memref<632x16xf32, #tpu.memory_space<hbm>>
        %dma_start3A_46 = arith.constant 0 : i32
        %dma_start3A_47 = tpu.memref_slice %arg3[%mul3A_2, %dma_start3A_46] : memref<10000x16xf32, #tpu.memory_space<hbm>> -> memref<632x16xf32, #tpu.memory_space<hbm>>
        tpu.enqueue_dma source(%dma_start3A_47 : memref<632x16xf32, #tpu.memory_space<hbm>>) target(%arg10 : memref<632x16xf32, #tpu.memory_space<vmem>>) target_semaphore(%run_scoped3A_43 : memref<!tpu.dma_semaphore, #tpu.memory_space<semaphore_mem>>)
        %dma_wait3A = arith.constant 0 : i32
        %dma_wait3A_48 = tpu.memref_slice %arg3[%mul3A_2, %dma_wait3A] : memref<10000x16xf32, #tpu.memory_space<hbm>> -> memref<632x16xf32, #tpu.memory_space<hbm>>
        %dma_wait3A_49 = arith.constant 0 : i32
        %dma_wait3A_50 = tpu.memref_slice %arg3[%mul3A_2, %dma_wait3A_49] : memref<10000x16xf32, #tpu.memory_space<hbm>> -> memref<632x16xf32, #tpu.memory_space<hbm>>
        tpu.wait_dma2 semaphore(%run_scoped3A_43 : memref<!tpu.dma_semaphore, #tpu.memory_space<semaphore_mem>>) src(%dma_wait3A_50 : memref<632x16xf32, #tpu.memory_space<hbm>>) dst(%arg10 : memref<632x16xf32, #tpu.memory_space<vmem>>)
        tpu.yield
      }) : () -> ()
      "tpu.region"() ({
        %run_scoped3A_43 = tpu.sem_alloc : memref<!tpu.dma_semaphore, #tpu.memory_space<semaphore_mem>>
        %dma_start3A_44 = arith.constant 0 : i32
        %dma_start3A_45 = tpu.memref_slice %arg12[%mul3A_2, %dma_start3A_44] : memref<10112x16xf32, #tpu.memory_space<vmem_shared>> -> memref<632x16xf32, #tpu.memory_space<vmem_shared>>
        %dma_start3A_46 = arith.constant 0 : i32
        %dma_start3A_47 = tpu.memref_slice %arg12[%mul3A_2, %dma_start3A_46] : memref<10112x16xf32, #tpu.memory_space<vmem_shared>> -> memref<632x16xf32, #tpu.memory_space<vmem_shared>>
        tpu.enqueue_dma source(%arg10 : memref<632x16xf32, #tpu.memory_space<vmem>>) target(%dma_start3A_47 : memref<632x16xf32, #tpu.memory_space<vmem_shared>>) target_semaphore(%run_scoped3A_43 : memref<!tpu.dma_semaphore, #tpu.memory_space<semaphore_mem>>)
        %dma_wait3A = arith.constant 0 : i32
        %dma_wait3A_48 = tpu.memref_slice %arg12[%mul3A_2, %dma_wait3A] : memref<10112x16xf32, #tpu.memory_space<vmem_shared>> -> memref<632x16xf32, #tpu.memory_space<vmem_shared>>
        %dma_wait3A_49 = arith.constant 0 : i32
        %dma_wait3A_50 = tpu.memref_slice %arg12[%mul3A_2, %dma_wait3A_49] : memref<10112x16xf32, #tpu.memory_space<vmem_shared>> -> memref<632x16xf32, #tpu.memory_space<vmem_shared>>
        tpu.wait_dma2 semaphore(%run_scoped3A_43 : memref<!tpu.dma_semaphore, #tpu.memory_space<semaphore_mem>>) src(%arg10 : memref<632x16xf32, #tpu.memory_space<vmem>>) dst(%dma_wait3A_50 : memref<632x16xf32, #tpu.memory_space<vmem_shared>>)
        tpu.yield
      }) : () -> ()
    } else {
    }
    %eq3A = arith.constant 15 : i32
    %eq3A_5 = arith.cmpi eq, %arg1, %eq3A : i32
    %convert_element_type3A_6 = arith.extui %eq3A_5 : i1 to i32
    %cond3A_7 = arith.constant 0 : i32
    %cond3A_8 = arith.cmpi ne, %convert_element_type3A_6, %cond3A_7 : i32
    scf.if %cond3A_8 {
      "tpu.region"() ({
        %run_scoped3A_43 = tpu.sem_alloc : memref<!tpu.dma_semaphore, #tpu.memory_space<semaphore_mem>>
        %dma_start3A_44 = arith.constant 0 : i32
        %dma_start3A_45 = arith.constant 0 : i32
        %dma_start3A_46 = tpu.memref_slice %arg10[%dma_start3A_44, %dma_start3A_45] : memref<632x16xf32, #tpu.memory_space<vmem>> -> memref<520x16xf32, #tpu.memory_space<vmem>>
        %dma_start3A_47 = arith.constant 9480 : i32
        %dma_start3A_48 = arith.constant 0 : i32
        %dma_start3A_49 = tpu.memref_slice %arg3[%dma_start3A_47, %dma_start3A_48] : memref<10000x16xf32, #tpu.memory_space<hbm>> -> memref<520x16xf32, #tpu.memory_space<hbm>>
        %dma_start3A_50 = arith.constant 0 : i32
        %dma_start3A_51 = arith.constant 0 : i32
        %dma_start3A_52 = tpu.memref_slice %arg10[%dma_start3A_50, %dma_start3A_51] : memref<632x16xf32, #tpu.memory_space<vmem>> -> memref<520x16xf32, #tpu.memory_space<vmem>>
        %dma_start3A_53 = arith.constant 9480 : i32
        %dma_start3A_54 = arith.constant 0 : i32
        %dma_start3A_55 = tpu.memref_slice %arg3[%dma_start3A_53, %dma_start3A_54] : memref<10000x16xf32, #tpu.memory_space<hbm>> -> memref<520x16xf32, #tpu.memory_space<hbm>>
        tpu.enqueue_dma source(%dma_start3A_55 : memref<520x16xf32, #tpu.memory_space<hbm>>) target(%dma_start3A_52 : memref<520x16xf32, #tpu.memory_space<vmem>>) target_semaphore(%run_scoped3A_43 : memref<!tpu.dma_semaphore, #tpu.memory_space<semaphore_mem>>)
        %dma_wait3A = arith.constant 0 : i32
        %dma_wait3A_56 = arith.constant 0 : i32
        %dma_wait3A_57 = tpu.memref_slice %arg10[%dma_wait3A, %dma_wait3A_56] : memref<632x16xf32, #tpu.memory_space<vmem>> -> memref<520x16xf32, #tpu.memory_space<vmem>>
        %dma_wait3A_58 = arith.constant 9480 : i32
        %dma_wait3A_59 = arith.constant 0 : i32
        %dma_wait3A_60 = tpu.memref_slice %arg3[%dma_wait3A_58, %dma_wait3A_59] : memref<10000x16xf32, #tpu.memory_space<hbm>> -> memref<520x16xf32, #tpu.memory_space<hbm>>
        %dma_wait3A_61 = arith.constant 0 : i32
        %dma_wait3A_62 = arith.constant 0 : i32
        %dma_wait3A_63 = tpu.memref_slice %arg10[%dma_wait3A_61, %dma_wait3A_62] : memref<632x16xf32, #tpu.memory_space<vmem>> -> memref<520x16xf32, #tpu.memory_space<vmem>>
        %dma_wait3A_64 = arith.constant 9480 : i32
        %dma_wait3A_65 = arith.constant 0 : i32
        %dma_wait3A_66 = tpu.memref_slice %arg3[%dma_wait3A_64, %dma_wait3A_65] : memref<10000x16xf32, #tpu.memory_space<hbm>> -> memref<520x16xf32, #tpu.memory_space<hbm>>
        tpu.wait_dma2 semaphore(%run_scoped3A_43 : memref<!tpu.dma_semaphore, #tpu.memory_space<semaphore_mem>>) src(%dma_wait3A_66 : memref<520x16xf32, #tpu.memory_space<hbm>>) dst(%dma_wait3A_63 : memref<520x16xf32, #tpu.memory_space<vmem>>)
        tpu.yield
      }) : () -> ()
      "tpu.region"() ({
        %run_scoped3A_43 = tpu.sem_alloc : memref<!tpu.dma_semaphore, #tpu.memory_space<semaphore_mem>>
        %dma_start3A_44 = arith.constant 0 : i32
        %dma_start3A_45 = arith.constant 0 : i32
        %dma_start3A_46 = tpu.memref_slice %arg10[%dma_start3A_44, %dma_start3A_45] : memref<632x16xf32, #tpu.memory_space<vmem>> -> memref<520x16xf32, #tpu.memory_space<vmem>>
        %dma_start3A_47 = arith.constant 9480 : i32
        %dma_start3A_48 = arith.constant 0 : i32
        %dma_start3A_49 = tpu.memref_slice %arg12[%dma_start3A_47, %dma_start3A_48] : memref<10112x16xf32, #tpu.memory_space<vmem_shared>> -> memref<520x16xf32, #tpu.memory_space<vmem_shared>>
        %dma_start3A_50 = arith.constant 9480 : i32
        %dma_start3A_51 = arith.constant 0 : i32
        %dma_start3A_52 = tpu.memref_slice %arg12[%dma_start3A_50, %dma_start3A_51] : memref<10112x16xf32, #tpu.memory_space<vmem_shared>> -> memref<520x16xf32, #tpu.memory_space<vmem_shared>>
        %dma_start3A_53 = arith.constant 0 : i32
        %dma_start3A_54 = arith.constant 0 : i32
        %dma_start3A_55 = tpu.memref_slice %arg10[%dma_start3A_53, %dma_start3A_54] : memref<632x16xf32, #tpu.memory_space<vmem>> -> memref<520x16xf32, #tpu.memory_space<vmem>>
        tpu.enqueue_dma source(%dma_start3A_55 : memref<520x16xf32, #tpu.memory_space<vmem>>) target(%dma_start3A_52 : memref<520x16xf32, #tpu.memory_space<vmem_shared>>) target_semaphore(%run_scoped3A_43 : memref<!tpu.dma_semaphore, #tpu.memory_space<semaphore_mem>>)
        %dma_wait3A = arith.constant 0 : i32
        %dma_wait3A_56 = arith.constant 0 : i32
        %dma_wait3A_57 = tpu.memref_slice %arg10[%dma_wait3A, %dma_wait3A_56] : memref<632x16xf32, #tpu.memory_space<vmem>> -> memref<520x16xf32, #tpu.memory_space<vmem>>
        %dma_wait3A_58 = arith.constant 9480 : i32
        %dma_wait3A_59 = arith.constant 0 : i32
        %dma_wait3A_60 = tpu.memref_slice %arg12[%dma_wait3A_58, %dma_wait3A_59] : memref<10112x16xf32, #tpu.memory_space<vmem_shared>> -> memref<520x16xf32, #tpu.memory_space<vmem_shared>>
        %dma_wait3A_61 = arith.constant 9480 : i32
        %dma_wait3A_62 = arith.constant 0 : i32
        %dma_wait3A_63 = tpu.memref_slice %arg12[%dma_wait3A_61, %dma_wait3A_62] : memref<10112x16xf32, #tpu.memory_space<vmem_shared>> -> memref<520x16xf32, #tpu.memory_space<vmem_shared>>
        %dma_wait3A_64 = arith.constant 0 : i32
        %dma_wait3A_65 = arith.constant 0 : i32
        %dma_wait3A_66 = tpu.memref_slice %arg10[%dma_wait3A_64, %dma_wait3A_65] : memref<632x16xf32, #tpu.memory_space<vmem>> -> memref<520x16xf32, #tpu.memory_space<vmem>>
        tpu.wait_dma2 semaphore(%run_scoped3A_43 : memref<!tpu.dma_semaphore, #tpu.memory_space<semaphore_mem>>) src(%dma_wait3A_66 : memref<520x16xf32, #tpu.memory_space<vmem>>) dst(%dma_wait3A_63 : memref<520x16xf32, #tpu.memory_space<vmem_shared>>)
        tpu.yield
      }) : () -> ()
    } else {
    }
    %broadcast_in_dim3A = arith.constant 0.000000e+00 : f32
    %broadcast_in_dim3A_9 = vector.broadcast %broadcast_in_dim3A : f32 to vector<16xf32>
    %scan3A = arith.constant 0 : i32
    %scan3A_10 = arith.constant 0 : i32
    %scan3A_11 = arith.constant 632 : i32
    %scan3A_12 = arith.addi %scan3A_10, %scan3A_11 : i32
    %scan3A_13 = arith.constant 1 : i32
    scf.for %scan3A_43 = %scan3A_10 to %scan3A_12 step %scan3A_13  : i32 {
      %swap3A = arith.index_cast %scan3A_43 : i32 to index
      %swap3A_44 = arith.constant 0 : index
      %swap3A_45 = tpu.vector_load %arg10[%swap3A, %swap3A_44] {strides = array<i32>} : memref<632x16xf32, #tpu.memory_space<vmem>>, vector<1x16xf32>,
      %swap3A_46 = vector.shape_cast %swap3A_45 : vector<1x16xf32> to vector<16xf32>
      %swap3A_47 = vector.shape_cast %broadcast_in_dim3A_9 : vector<16xf32> to vector<1x16xf32>
      tpu.vector_store %arg10[%swap3A, %swap3A_44], %swap3A_47 {strides = array<i32>} : memref<632x16xf32, #tpu.memory_space<vmem>>, vector<1x16xf32>,
    }
    %scan3A_14 = arith.constant 632 : i32
    "tpu.region"() ({
      %run_scoped3A_43 = tpu.sem_alloc : memref<!tpu.dma_semaphore, #tpu.memory_space<semaphore_mem>>
      %dma_start3A_44 = arith.constant 0 : i32
      %dma_start3A_45 = tpu.memref_slice %arg11[%mul3A_2, %dma_start3A_44] : memref<10112x16xf32, #tpu.memory_space<vmem_shared>> -> memref<632x16xf32, #tpu.memory_space<vmem_shared>>
      %dma_start3A_46 = arith.constant 0 : i32
      %dma_start3A_47 = tpu.memref_slice %arg11[%mul3A_2, %dma_start3A_46] : memref<10112x16xf32, #tpu.memory_space<vmem_shared>> -> memref<632x16xf32, #tpu.memory_space<vmem_shared>>
      tpu.enqueue_dma source(%arg10 : memref<632x16xf32, #tpu.memory_space<vmem>>) target(%dma_start3A_47 : memref<632x16xf32, #tpu.memory_space<vmem_shared>>) target_semaphore(%run_scoped3A_43 : memref<!tpu.dma_semaphore, #tpu.memory_space<semaphore_mem>>)
      %dma_wait3A = arith.constant 0 : i32
      %dma_wait3A_48 = tpu.memref_slice %arg11[%mul3A_2, %dma_wait3A] : memref<10112x16xf32, #tpu.memory_space<vmem_shared>> -> memref<632x16xf32, #tpu.memory_space<vmem_shared>>
      %dma_wait3A_49 = arith.constant 0 : i32
      %dma_wait3A_50 = tpu.memref_slice %arg11[%mul3A_2, %dma_wait3A_49] : memref<10112x16xf32, #tpu.memory_space<vmem_shared>> -> memref<632x16xf32, #tpu.memory_space<vmem_shared>>
      tpu.wait_dma2 semaphore(%run_scoped3A_43 : memref<!tpu.dma_semaphore, #tpu.memory_space<semaphore_mem>>) src(%arg10 : memref<632x16xf32, #tpu.memory_space<vmem>>) dst(%dma_wait3A_50 : memref<632x16xf32, #tpu.memory_space<vmem_shared>>)
      tpu.yield
    }) : () -> ()
    "tpu.region"() ({
      %run_scoped3A_43 = tpu.sem_alloc : memref<!tpu.dma_semaphore, #tpu.memory_space<semaphore_mem>>
      %dma_start3A_44 = arith.constant 0 : i32
      %dma_start3A_45 = tpu.memref_slice %arg16[%mul3A_2, %dma_start3A_44] : memref<10112x16xf32, #tpu.memory_space<vmem_shared>> -> memref<632x16xf32, #tpu.memory_space<vmem_shared>>
      %dma_start3A_46 = arith.constant 0 : i32
      %dma_start3A_47 = tpu.memref_slice %arg16[%mul3A_2, %dma_start3A_46] : memref<10112x16xf32, #tpu.memory_space<vmem_shared>> -> memref<632x16xf32, #tpu.memory_space<vmem_shared>>
      tpu.enqueue_dma source(%arg10 : memref<632x16xf32, #tpu.memory_space<vmem>>) target(%dma_start3A_47 : memref<632x16xf32, #tpu.memory_space<vmem_shared>>) target_semaphore(%run_scoped3A_43 : memref<!tpu.dma_semaphore, #tpu.memory_space<semaphore_mem>>)
      %dma_wait3A = arith.constant 0 : i32
      %dma_wait3A_48 = tpu.memref_slice %arg16[%mul3A_2, %dma_wait3A] : memref<10112x16xf32, #tpu.memory_space<vmem_shared>> -> memref<632x16xf32, #tpu.memory_space<vmem_shared>>
      %dma_wait3A_49 = arith.constant 0 : i32
      %dma_wait3A_50 = tpu.memref_slice %arg16[%mul3A_2, %dma_wait3A_49] : memref<10112x16xf32, #tpu.memory_space<vmem_shared>> -> memref<632x16xf32, #tpu.memory_space<vmem_shared>>
      tpu.wait_dma2 semaphore(%run_scoped3A_43 : memref<!tpu.dma_semaphore, #tpu.memory_space<semaphore_mem>>) src(%arg10 : memref<632x16xf32, #tpu.memory_space<vmem>>) dst(%dma_wait3A_50 : memref<632x16xf32, #tpu.memory_space<vmem_shared>>)
      tpu.yield
    }) : () -> ()
    %broadcast_in_dim3A_15 = arith.constant 1.000000e+00 : f32
    %broadcast_in_dim3A_16 = vector.broadcast %broadcast_in_dim3A_15 : f32 to vector<16xf32>
    %scan3A_17 = arith.constant 0 : i32
    %scan3A_18 = arith.constant 0 : i32
    %scan3A_19 = arith.constant 1024 : i32
    %scan3A_20 = arith.addi %scan3A_18, %scan3A_19 : i32
    %scan3A_21 = arith.constant 1 : i32
    scf.for %scan3A_43 = %scan3A_18 to %scan3A_20 step %scan3A_21  : i32 {
      %swap3A = arith.index_cast %scan3A_43 : i32 to index
      %swap3A_44 = arith.constant 0 : index
      %swap3A_45 = tpu.vector_load %arg15[%swap3A, %swap3A_44] {strides = array<i32>} : memref<1024x16xf32, #tpu.memory_space<vmem>>, vector<1x16xf32>,
      %swap3A_46 = vector.shape_cast %swap3A_45 : vector<1x16xf32> to vector<16xf32>
      %swap3A_47 = vector.shape_cast %broadcast_in_dim3A_16 : vector<16xf32> to vector<1x16xf32>
      tpu.vector_store %arg15[%swap3A, %swap3A_44], %swap3A_47 {strides = array<i32>} : memref<1024x16xf32, #tpu.memory_space<vmem>>, vector<1x16xf32>,
    }
    %scan3A_22 = arith.constant 1024 : i32
    %run_scoped3A = arith.constant 0 : i32
    "tpu.region"() ({
      %run_scoped3A_43 = tpu.sem_alloc : memref<!tpu.dma_semaphore, #tpu.memory_space<semaphore_mem>>
      %dma_start3A_44 = arith.constant 0 : i32
      %dma_start3A_45 = arith.constant 0 : i32
      %dma_start3A_46 = arith.constant 0 : i32
      %dma_start3A_47 = tpu.memref_slice %arg2[%run_scoped3A, %dma_start3A_44, %dma_start3A_45, %dma_start3A_46] : memref<2x32x10x1024xi32, #tpu.memory_space<hbm>> -> memref<1x32x10x1024xi32, #tpu.memory_space<hbm>>
      %dma_start3A_48 = tpu.memref_squeeze %dma_start3A_47 : memref<1x32x10x1024xi32, #tpu.memory_space<hbm>> -> memref<32x10x1024xi32, #tpu.memory_space<hbm>>
      %dma_start3A_49 = arith.constant 0 : i32
      %dma_start3A_50 = arith.constant 0 : i32
      %dma_start3A_51 = tpu.memref_slice %dma_start3A_48[%add3A, %dma_start3A_49, %dma_start3A_50] : memref<32x10x1024xi32, #tpu.memory_space<hbm>> -> memref<1x10x1024xi32, #tpu.memory_space<hbm>>
      %dma_start3A_52 = tpu.memref_squeeze %dma_start3A_51 : memref<1x10x1024xi32, #tpu.memory_space<hbm>> -> memref<10x1024xi32, #tpu.memory_space<hbm>>
      %dma_start3A_53 = arith.constant 0 : i32
      %dma_start3A_54 = arith.constant 0 : i32
      %dma_start3A_55 = arith.constant 0 : i32
      %dma_start3A_56 = tpu.memref_slice %arg2[%run_scoped3A, %dma_start3A_53, %dma_start3A_54, %dma_start3A_55] : memref<2x32x10x1024xi32, #tpu.memory_space<hbm>> -> memref<1x32x10x1024xi32, #tpu.memory_space<hbm>>
      %dma_start3A_57 = tpu.memref_squeeze %dma_start3A_56 : memref<1x32x10x1024xi32, #tpu.memory_space<hbm>> -> memref<32x10x1024xi32, #tpu.memory_space<hbm>>
      %dma_start3A_58 = arith.constant 0 : i32
      %dma_start3A_59 = arith.constant 0 : i32
      %dma_start3A_60 = tpu.memref_slice %dma_start3A_57[%add3A, %dma_start3A_58, %dma_start3A_59] : memref<32x10x1024xi32, #tpu.memory_space<hbm>> -> memref<1x10x1024xi32, #tpu.memory_space<hbm>>
      %dma_start3A_61 = tpu.memref_squeeze %dma_start3A_60 : memref<1x10x1024xi32, #tpu.memory_space<hbm>> -> memref<10x1024xi32, #tpu.memory_space<hbm>>
      tpu.enqueue_dma source(%dma_start3A_61 : memref<10x1024xi32, #tpu.memory_space<hbm>>) target(%arg6 : memref<10x1024xi32, #tpu.memory_space<vmem>>) target_semaphore(%run_scoped3A_43 : memref<!tpu.dma_semaphore, #tpu.memory_space<semaphore_mem>>)
      %dma_wait3A = arith.constant 0 : i32
      %dma_wait3A_62 = arith.constant 0 : i32
      %dma_wait3A_63 = arith.constant 0 : i32
      %dma_wait3A_64 = tpu.memref_slice %arg2[%run_scoped3A, %dma_wait3A, %dma_wait3A_62, %dma_wait3A_63] : memref<2x32x10x1024xi32, #tpu.memory_space<hbm>> -> memref<1x32x10x1024xi32, #tpu.memory_space<hbm>>
      %dma_wait3A_65 = tpu.memref_squeeze %dma_wait3A_64 : memref<1x32x10x1024xi32, #tpu.memory_space<hbm>> -> memref<32x10x1024xi32, #tpu.memory_space<hbm>>
      %dma_wait3A_66 = arith.constant 0 : i32
      %dma_wait3A_67 = arith.constant 0 : i32
      %dma_wait3A_68 = tpu.memref_slice %dma_wait3A_65[%add3A, %dma_wait3A_66, %dma_wait3A_67] : memref<32x10x1024xi32, #tpu.memory_space<hbm>> -> memref<1x10x1024xi32, #tpu.memory_space<hbm>>
      %dma_wait3A_69 = tpu.memref_squeeze %dma_wait3A_68 : memref<1x10x1024xi32, #tpu.memory_space<hbm>> -> memref<10x1024xi32, #tpu.memory_space<hbm>>
      %dma_wait3A_70 = arith.constant 0 : i32
      %dma_wait3A_71 = arith.constant 0 : i32
      %dma_wait3A_72 = arith.constant 0 : i32
      %dma_wait3A_73 = tpu.memref_slice %arg2[%run_scoped3A, %dma_wait3A_70, %dma_wait3A_71, %dma_wait3A_72] : memref<2x32x10x1024xi32, #tpu.memory_space<hbm>> -> memref<1x32x10x1024xi32, #tpu.memory_space<hbm>>
      %dma_wait3A_74 = tpu.memref_squeeze %dma_wait3A_73 : memref<1x32x10x1024xi32, #tpu.memory_space<hbm>> -> memref<32x10x1024xi32, #tpu.memory_space<hbm>>
      %dma_wait3A_75 = arith.constant 0 : i32
      %dma_wait3A_76 = arith.constant 0 : i32
      %dma_wait3A_77 = tpu.memref_slice %dma_wait3A_74[%add3A, %dma_wait3A_75, %dma_wait3A_76] : memref<32x10x1024xi32, #tpu.memory_space<hbm>> -> memref<1x10x1024xi32, #tpu.memory_space<hbm>>
      %dma_wait3A_78 = tpu.memref_squeeze %dma_wait3A_77 : memref<1x10x1024xi32, #tpu.memory_space<hbm>> -> memref<10x1024xi32, #tpu.memory_space<hbm>>
      tpu.wait_dma2 semaphore(%run_scoped3A_43 : memref<!tpu.dma_semaphore, #tpu.memory_space<semaphore_mem>>) src(%dma_wait3A_78 : memref<10x1024xi32, #tpu.memory_space<hbm>>) dst(%arg6 : memref<10x1024xi32, #tpu.memory_space<vmem>>)
      tpu.yield
    }) : () -> ()
    %run_scoped3A_23 = arith.constant 1 : i32
    "tpu.region"() ({
      %run_scoped3A_43 = tpu.sem_alloc : memref<!tpu.dma_semaphore, #tpu.memory_space<semaphore_mem>>
      %dma_start3A_44 = arith.constant 0 : i32
      %dma_start3A_45 = arith.constant 0 : i32
      %dma_start3A_46 = arith.constant 0 : i32
      %dma_start3A_47 = tpu.memref_slice %arg2[%run_scoped3A_23, %dma_start3A_44, %dma_start3A_45, %dma_start3A_46] : memref<2x32x10x1024xi32, #tpu.memory_space<hbm>> -> memref<1x32x10x1024xi32, #tpu.memory_space<hbm>>
      %dma_start3A_48 = tpu.memref_squeeze %dma_start3A_47 : memref<1x32x10x1024xi32, #tpu.memory_space<hbm>> -> memref<32x10x1024xi32, #tpu.memory_space<hbm>>
      %dma_start3A_49 = arith.constant 0 : i32
      %dma_start3A_50 = arith.constant 0 : i32
      %dma_start3A_51 = tpu.memref_slice %dma_start3A_48[%add3A, %dma_start3A_49, %dma_start3A_50] : memref<32x10x1024xi32, #tpu.memory_space<hbm>> -> memref<1x10x1024xi32, #tpu.memory_space<hbm>>
      %dma_start3A_52 = tpu.memref_squeeze %dma_start3A_51 : memref<1x10x1024xi32, #tpu.memory_space<hbm>> -> memref<10x1024xi32, #tpu.memory_space<hbm>>
      %dma_start3A_53 = arith.constant 0 : i32
      %dma_start3A_54 = arith.constant 0 : i32
      %dma_start3A_55 = arith.constant 0 : i32
      %dma_start3A_56 = tpu.memref_slice %arg2[%run_scoped3A_23, %dma_start3A_53, %dma_start3A_54, %dma_start3A_55] : memref<2x32x10x1024xi32, #tpu.memory_space<hbm>> -> memref<1x32x10x1024xi32, #tpu.memory_space<hbm>>
      %dma_start3A_57 = tpu.memref_squeeze %dma_start3A_56 : memref<1x32x10x1024xi32, #tpu.memory_space<hbm>> -> memref<32x10x1024xi32, #tpu.memory_space<hbm>>
      %dma_start3A_58 = arith.constant 0 : i32
      %dma_start3A_59 = arith.constant 0 : i32
      %dma_start3A_60 = tpu.memref_slice %dma_start3A_57[%add3A, %dma_start3A_58, %dma_start3A_59] : memref<32x10x1024xi32, #tpu.memory_space<hbm>> -> memref<1x10x1024xi32, #tpu.memory_space<hbm>>
      %dma_start3A_61 = tpu.memref_squeeze %dma_start3A_60 : memref<1x10x1024xi32, #tpu.memory_space<hbm>> -> memref<10x1024xi32, #tpu.memory_space<hbm>>
      tpu.enqueue_dma source(%dma_start3A_61 : memref<10x1024xi32, #tpu.memory_space<hbm>>) target(%arg7 : memref<10x1024xi32, #tpu.memory_space<vmem>>) target_semaphore(%run_scoped3A_43 : memref<!tpu.dma_semaphore, #tpu.memory_space<semaphore_mem>>)
      %dma_wait3A = arith.constant 0 : i32
      %dma_wait3A_62 = arith.constant 0 : i32
      %dma_wait3A_63 = arith.constant 0 : i32
      %dma_wait3A_64 = tpu.memref_slice %arg2[%run_scoped3A_23, %dma_wait3A, %dma_wait3A_62, %dma_wait3A_63] : memref<2x32x10x1024xi32, #tpu.memory_space<hbm>> -> memref<1x32x10x1024xi32, #tpu.memory_space<hbm>>
      %dma_wait3A_65 = tpu.memref_squeeze %dma_wait3A_64 : memref<1x32x10x1024xi32, #tpu.memory_space<hbm>> -> memref<32x10x1024xi32, #tpu.memory_space<hbm>>
      %dma_wait3A_66 = arith.constant 0 : i32
      %dma_wait3A_67 = arith.constant 0 : i32
      %dma_wait3A_68 = tpu.memref_slice %dma_wait3A_65[%add3A, %dma_wait3A_66, %dma_wait3A_67] : memref<32x10x1024xi32, #tpu.memory_space<hbm>> -> memref<1x10x1024xi32, #tpu.memory_space<hbm>>
      %dma_wait3A_69 = tpu.memref_squeeze %dma_wait3A_68 : memref<1x10x1024xi32, #tpu.memory_space<hbm>> -> memref<10x1024xi32, #tpu.memory_space<hbm>>
      %dma_wait3A_70 = arith.constant 0 : i32
      %dma_wait3A_71 = arith.constant 0 : i32
      %dma_wait3A_72 = arith.constant 0 : i32
      %dma_wait3A_73 = tpu.memref_slice %arg2[%run_scoped3A_23, %dma_wait3A_70, %dma_wait3A_71, %dma_wait3A_72] : memref<2x32x10x1024xi32, #tpu.memory_space<hbm>> -> memref<1x32x10x1024xi32, #tpu.memory_space<hbm>>
      %dma_wait3A_74 = tpu.memref_squeeze %dma_wait3A_73 : memref<1x32x10x1024xi32, #tpu.memory_space<hbm>> -> memref<32x10x1024xi32, #tpu.memory_space<hbm>>
      %dma_wait3A_75 = arith.constant 0 : i32
      %dma_wait3A_76 = arith.constant 0 : i32
      %dma_wait3A_77 = tpu.memref_slice %dma_wait3A_74[%add3A, %dma_wait3A_75, %dma_wait3A_76] : memref<32x10x1024xi32, #tpu.memory_space<hbm>> -> memref<1x10x1024xi32, #tpu.memory_space<hbm>>
      %dma_wait3A_78 = tpu.memref_squeeze %dma_wait3A_77 : memref<1x10x1024xi32, #tpu.memory_space<hbm>> -> memref<10x1024xi32, #tpu.memory_space<hbm>>
      tpu.wait_dma2 semaphore(%run_scoped3A_43 : memref<!tpu.dma_semaphore, #tpu.memory_space<semaphore_mem>>) src(%dma_wait3A_78 : memref<10x1024xi32, #tpu.memory_space<hbm>>) dst(%arg7 : memref<10x1024xi32, #tpu.memory_space<vmem>>)
      tpu.yield
    }) : () -> ()
    %barrier3A = arith.constant 0 : index
    tpu.barrier barrier_id(%barrier3A)
    %dma_start3A = arith.constant 0 : i32
    %dma_start3A_24 = arith.constant 0 : i32
    %dma_start3A_25 = tpu.memref_slice %arg6[%dma_start3A, %dma_start3A_24] : memref<10x1024xi32, #tpu.memory_space<vmem>> -> memref<1x1024xi32, #tpu.memory_space<vmem>>
    %dma_start3A_26 = tpu.memref_squeeze %dma_start3A_25 : memref<1x1024xi32, #tpu.memory_space<vmem>> -> memref<1024xi32, #tpu.memory_space<vmem>>
    %dma_start3A_27 = arith.constant 0 : i32
    %dma_start3A_28 = arith.constant 0 : i32
    %dma_start3A_29 = tpu.memref_slice %arg12[%dma_start3A_27, %dma_start3A_28] : memref<10112x16xf32, #tpu.memory_space<vmem_shared>> -> memref<10112x16xf32, #tpu.memory_space<vmem_shared>>
    tpu.enqueue_indirect_dma source(%dma_start3A_29 : memref<10112x16xf32, #tpu.memory_space<vmem_shared>>) target(%arg8 : memref<1024x16xf32, #tpu.memory_space<vmem>>) offsets(%dma_start3A_26 : memref<1024xi32, #tpu.memory_space<vmem>>) semaphore(%arg13 : memref<!tpu.dma_semaphore, #tpu.memory_space<semaphore_mem>>)
    %scan3A_30 = arith.constant 0 : i32
    %scan3A_31 = arith.constant 0 : i32
    %scan3A_32 = arith.constant 5 : i32
    %scan3A_33 = arith.addi %scan3A_31, %scan3A_32 : i32
    %scan3A_34 = arith.constant 1 : i32
    scf.for %scan3A_43 = %scan3A_31 to %scan3A_33 step %scan3A_34  : i32 {
      %mul3A_44 = arith.constant 2 : i32
      %mul3A_45 = arith.muli %mul3A_44, %scan3A_43 : i32
      %add3A_46 = arith.constant 1 : i32
      %add3A_47 = arith.addi %mul3A_45, %add3A_46 : i32
      %add3A_48 = arith.constant 2 : i32
      %add3A_49 = arith.addi %mul3A_45, %add3A_48 : i32
      %dma_wait3A = arith.constant 0 : i32
      %dma_wait3A_50 = tpu.memref_slice %arg6[%mul3A_45, %dma_wait3A] : memref<10x1024xi32, #tpu.memory_space<vmem>> -> memref<1x1024xi32, #tpu.memory_space<vmem>>
      %dma_wait3A_51 = tpu.memref_squeeze %dma_wait3A_50 : memref<1x1024xi32, #tpu.memory_space<vmem>> -> memref<1024xi32, #tpu.memory_space<vmem>>
      %dma_wait3A_52 = arith.constant 0 : i32
      %dma_wait3A_53 = arith.constant 0 : i32
      %dma_wait3A_54 = tpu.memref_slice %arg12[%dma_wait3A_52, %dma_wait3A_53] : memref<10112x16xf32, #tpu.memory_space<vmem_shared>> -> memref<10112x16xf32, #tpu.memory_space<vmem_shared>>
      tpu.wait_indirect_dma semaphore(%arg13 : memref<!tpu.dma_semaphore, #tpu.memory_space<semaphore_mem>>) src(%dma_wait3A_54 : memref<10112x16xf32, #tpu.memory_space<vmem_shared>>) dst(%arg8 : memref<1024x16xf32, #tpu.memory_space<vmem>>)
      %dma_start3A_55 = arith.constant 0 : i32
      %dma_start3A_56 = tpu.memref_slice %arg6[%add3A_47, %dma_start3A_55] : memref<10x1024xi32, #tpu.memory_space<vmem>> -> memref<1x1024xi32, #tpu.memory_space<vmem>>
      %dma_start3A_57 = tpu.memref_squeeze %dma_start3A_56 : memref<1x1024xi32, #tpu.memory_space<vmem>> -> memref<1024xi32, #tpu.memory_space<vmem>>
      %dma_start3A_58 = arith.constant 0 : i32
      %dma_start3A_59 = arith.constant 0 : i32
      %dma_start3A_60 = tpu.memref_slice %arg12[%dma_start3A_58, %dma_start3A_59] : memref<10112x16xf32, #tpu.memory_space<vmem_shared>> -> memref<10112x16xf32, #tpu.memory_space<vmem_shared>>
      tpu.enqueue_indirect_dma source(%dma_start3A_60 : memref<10112x16xf32, #tpu.memory_space<vmem_shared>>) target(%arg9 : memref<1024x16xf32, #tpu.memory_space<vmem>>) offsets(%dma_start3A_57 : memref<1024xi32, #tpu.memory_space<vmem>>) semaphore(%arg14 : memref<!tpu.dma_semaphore, #tpu.memory_space<semaphore_mem>>)
      "tpu.region"() ({
        %run_scoped3A_84 = tpu.sem_alloc : memref<!tpu.dma_semaphore, #tpu.memory_space<semaphore_mem>>
        %dma_start3A_85 = arith.constant 0 : i32
        %dma_start3A_86 = tpu.memref_slice %arg7[%mul3A_45, %dma_start3A_85] : memref<10x1024xi32, #tpu.memory_space<vmem>> -> memref<1x1024xi32, #tpu.memory_space<vmem>>
        %dma_start3A_87 = tpu.memref_squeeze %dma_start3A_86 : memref<1x1024xi32, #tpu.memory_space<vmem>> -> memref<1024xi32, #tpu.memory_space<vmem>>
        %dma_start3A_88 = arith.constant 0 : i32
        %dma_start3A_89 = arith.constant 0 : i32
        %dma_start3A_90 = tpu.memref_slice %arg11[%dma_start3A_88, %dma_start3A_89] : memref<10112x16xf32, #tpu.memory_space<vmem_shared>> -> memref<10112x16xf32, #tpu.memory_space<vmem_shared>>
        tpu.enqueue_indirect_dma source(%arg8 : memref<1024x16xf32, #tpu.memory_space<vmem>>) target(%dma_start3A_90 : memref<10112x16xf32, #tpu.memory_space<vmem_shared>>) offsets(%dma_start3A_87 : memref<1024xi32, #tpu.memory_space<vmem>>) semaphore(%run_scoped3A_84 : memref<!tpu.dma_semaphore, #tpu.memory_space<semaphore_mem>>) {add = true}
        %dma_wait3A_91 = arith.constant 0 : i32
        %dma_wait3A_92 = tpu.memref_slice %arg7[%mul3A_45, %dma_wait3A_91] : memref<10x1024xi32, #tpu.memory_space<vmem>> -> memref<1x1024xi32, #tpu.memory_space<vmem>>
        %dma_wait3A_93 = tpu.memref_squeeze %dma_wait3A_92 : memref<1x1024xi32, #tpu.memory_space<vmem>> -> memref<1024xi32, #tpu.memory_space<vmem>>
        %dma_wait3A_94 = arith.constant 0 : i32
        %dma_wait3A_95 = arith.constant 0 : i32
        %dma_wait3A_96 = tpu.memref_slice %arg11[%dma_wait3A_94, %dma_wait3A_95] : memref<10112x16xf32, #tpu.memory_space<vmem_shared>> -> memref<10112x16xf32, #tpu.memory_space<vmem_shared>>
        tpu.wait_indirect_dma semaphore(%run_scoped3A_84 : memref<!tpu.dma_semaphore, #tpu.memory_space<semaphore_mem>>) src(%arg8 : memref<1024x16xf32, #tpu.memory_space<vmem>>) dst(%dma_wait3A_96 : memref<10112x16xf32, #tpu.memory_space<vmem_shared>>)
        tpu.yield
      }) : () -> ()
      %dma_start3A_61 = arith.constant 0 : i32
      %dma_start3A_62 = tpu.memref_slice %arg7[%mul3A_45, %dma_start3A_61] : memref<10x1024xi32, #tpu.memory_space<vmem>> -> memref<1x1024xi32, #tpu.memory_space<vmem>>
      %dma_start3A_63 = tpu.memref_squeeze %dma_start3A_62 : memref<1x1024xi32, #tpu.memory_space<vmem>> -> memref<1024xi32, #tpu.memory_space<vmem>>
      %dma_start3A_64 = arith.constant 0 : i32
      %dma_start3A_65 = arith.constant 0 : i32
      %dma_start3A_66 = tpu.memref_slice %arg16[%dma_start3A_64, %dma_start3A_65] : memref<10112x16xf32, #tpu.memory_space<vmem_shared>> -> memref<10112x16xf32, #tpu.memory_space<vmem_shared>>
      tpu.enqueue_indirect_dma source(%arg15 : memref<1024x16xf32, #tpu.memory_space<vmem>>) target(%dma_start3A_66 : memref<10112x16xf32, #tpu.memory_space<vmem_shared>>) offsets(%dma_start3A_63 : memref<1024xi32, #tpu.memory_space<vmem>>) semaphore(%arg17 : memref<!tpu.dma_semaphore, #tpu.memory_space<semaphore_mem>>) {add = true}
      %dma_wait3A_67 = arith.constant 0 : i32
      %dma_wait3A_68 = tpu.memref_slice %arg6[%add3A_47, %dma_wait3A_67] : memref<10x1024xi32, #tpu.memory_space<vmem>> -> memref<1x1024xi32, #tpu.memory_space<vmem>>
      %dma_wait3A_69 = tpu.memref_squeeze %dma_wait3A_68 : memref<1x1024xi32, #tpu.memory_space<vmem>> -> memref<1024xi32, #tpu.memory_space<vmem>>
      %dma_wait3A_70 = arith.constant 0 : i32
      %dma_wait3A_71 = arith.constant 0 : i32
      %dma_wait3A_72 = tpu.memref_slice %arg12[%dma_wait3A_70, %dma_wait3A_71] : memref<10112x16xf32, #tpu.memory_space<vmem_shared>> -> memref<10112x16xf32, #tpu.memory_space<vmem_shared>>
      tpu.wait_indirect_dma semaphore(%arg14 : memref<!tpu.dma_semaphore, #tpu.memory_space<semaphore_mem>>) src(%dma_wait3A_72 : memref<10112x16xf32, #tpu.memory_space<vmem_shared>>) dst(%arg9 : memref<1024x16xf32, #tpu.memory_space<vmem>>)
      %lt3A_73 = arith.constant 10 : i32
      %lt3A_74 = arith.cmpi slt, %add3A_49, %lt3A_73 : i32
      %convert_element_type3A_75 = arith.extui %lt3A_74 : i1 to i32
      %cond3A_76 = arith.constant 0 : i32
      %cond3A_77 = arith.cmpi ne, %convert_element_type3A_75, %cond3A_76 : i32
      scf.if %cond3A_77 {
        %dma_start3A_84 = arith.constant 0 : i32
        %dma_start3A_85 = tpu.memref_slice %arg6[%add3A_49, %dma_start3A_84] : memref<10x1024xi32, #tpu.memory_space<vmem>> -> memref<1x1024xi32, #tpu.memory_space<vmem>>
        %dma_start3A_86 = tpu.memref_squeeze %dma_start3A_85 : memref<1x1024xi32, #tpu.memory_space<vmem>> -> memref<1024xi32, #tpu.memory_space<vmem>>
        %dma_start3A_87 = arith.constant 0 : i32
        %dma_start3A_88 = arith.constant 0 : i32
        %dma_start3A_89 = tpu.memref_slice %arg12[%dma_start3A_87, %dma_start3A_88] : memref<10112x16xf32, #tpu.memory_space<vmem_shared>> -> memref<10112x16xf32, #tpu.memory_space<vmem_shared>>
        tpu.enqueue_indirect_dma source(%dma_start3A_89 : memref<10112x16xf32, #tpu.memory_space<vmem_shared>>) target(%arg8 : memref<1024x16xf32, #tpu.memory_space<vmem>>) offsets(%dma_start3A_86 : memref<1024xi32, #tpu.memory_space<vmem>>) semaphore(%arg13 : memref<!tpu.dma_semaphore, #tpu.memory_space<semaphore_mem>>)
      } else {
      }
      "tpu.region"() ({
        %run_scoped3A_84 = tpu.sem_alloc : memref<!tpu.dma_semaphore, #tpu.memory_space<semaphore_mem>>
        %dma_start3A_85 = arith.constant 0 : i32
        %dma_start3A_86 = tpu.memref_slice %arg7[%add3A_47, %dma_start3A_85] : memref<10x1024xi32, #tpu.memory_space<vmem>> -> memref<1x1024xi32, #tpu.memory_space<vmem>>
        %dma_start3A_87 = tpu.memref_squeeze %dma_start3A_86 : memref<1x1024xi32, #tpu.memory_space<vmem>> -> memref<1024xi32, #tpu.memory_space<vmem>>
        %dma_start3A_88 = arith.constant 0 : i32
        %dma_start3A_89 = arith.constant 0 : i32
        %dma_start3A_90 = tpu.memref_slice %arg11[%dma_start3A_88, %dma_start3A_89] : memref<10112x16xf32, #tpu.memory_space<vmem_shared>> -> memref<10112x16xf32, #tpu.memory_space<vmem_shared>>
        tpu.enqueue_indirect_dma source(%arg9 : memref<1024x16xf32, #tpu.memory_space<vmem>>) target(%dma_start3A_90 : memref<10112x16xf32, #tpu.memory_space<vmem_shared>>) offsets(%dma_start3A_87 : memref<1024xi32, #tpu.memory_space<vmem>>) semaphore(%run_scoped3A_84 : memref<!tpu.dma_semaphore, #tpu.memory_space<semaphore_mem>>) {add = true}
        %dma_wait3A_91 = arith.constant 0 : i32
        %dma_wait3A_92 = tpu.memref_slice %arg7[%add3A_47, %dma_wait3A_91] : memref<10x1024xi32, #tpu.memory_space<vmem>> -> memref<1x1024xi32, #tpu.memory_space<vmem>>
        %dma_wait3A_93 = tpu.memref_squeeze %dma_wait3A_92 : memref<1x1024xi32, #tpu.memory_space<vmem>> -> memref<1024xi32, #tpu.memory_space<vmem>>
        %dma_wait3A_94 = arith.constant 0 : i32
        %dma_wait3A_95 = arith.constant 0 : i32
        %dma_wait3A_96 = tpu.memref_slice %arg11[%dma_wait3A_94, %dma_wait3A_95] : memref<10112x16xf32, #tpu.memory_space<vmem_shared>> -> memref<10112x16xf32, #tpu.memory_space<vmem_shared>>
        tpu.wait_indirect_dma semaphore(%run_scoped3A_84 : memref<!tpu.dma_semaphore, #tpu.memory_space<semaphore_mem>>) src(%arg9 : memref<1024x16xf32, #tpu.memory_space<vmem>>) dst(%dma_wait3A_96 : memref<10112x16xf32, #tpu.memory_space<vmem_shared>>)
        tpu.yield
      }) : () -> ()
      %dma_start3A_78 = arith.constant 0 : i32
      %dma_start3A_79 = tpu.memref_slice %arg7[%add3A_47, %dma_start3A_78] : memref<10x1024xi32, #tpu.memory_space<vmem>> -> memref<1x1024xi32, #tpu.memory_space<vmem>>
      %dma_start3A_80 = tpu.memref_squeeze %dma_start3A_79 : memref<1x1024xi32, #tpu.memory_space<vmem>> -> memref<1024xi32, #tpu.memory_space<vmem>>
      %dma_start3A_81 = arith.constant 0 : i32
      %dma_start3A_82 = arith.constant 0 : i32
      %dma_start3A_83 = tpu.memref_slice %arg16[%dma_start3A_81, %dma_start3A_82] : memref<10112x16xf32, #tpu.memory_space<vmem_shared>> -> memref<10112x16xf32, #tpu.memory_space<vmem_shared>>
      tpu.enqueue_indirect_dma source(%arg15 : memref<1024x16xf32, #tpu.memory_space<vmem>>) target(%dma_start3A_83 : memref<10112x16xf32, #tpu.memory_space<vmem_shared>>) offsets(%dma_start3A_80 : memref<1024xi32, #tpu.memory_space<vmem>>) semaphore(%arg17 : memref<!tpu.dma_semaphore, #tpu.memory_space<semaphore_mem>>) {add = true}
    }
    %scan3A_35 = arith.constant 5 : i32
    %scan3A_36 = arith.constant 0 : i32
    %scan3A_37 = arith.constant 0 : i32
    %scan3A_38 = arith.constant 10 : i32
    %scan3A_39 = arith.addi %scan3A_37, %scan3A_38 : i32
    %scan3A_40 = arith.constant 1 : i32
    scf.for %scan3A_43 = %scan3A_37 to %scan3A_39 step %scan3A_40  : i32 {
      %dma_wait3A = arith.constant 0 : i32
      %dma_wait3A_44 = arith.constant 0 : i32
      %dma_wait3A_45 = tpu.memref_slice %arg7[%dma_wait3A, %dma_wait3A_44] : memref<10x1024xi32, #tpu.memory_space<vmem>> -> memref<1x1024xi32, #tpu.memory_space<vmem>>
      %dma_wait3A_46 = tpu.memref_squeeze %dma_wait3A_45 : memref<1x1024xi32, #tpu.memory_space<vmem>> -> memref<1024xi32, #tpu.memory_space<vmem>>
      %dma_wait3A_47 = arith.constant 0 : i32
      %dma_wait3A_48 = arith.constant 0 : i32
      %dma_wait3A_49 = tpu.memref_slice %arg16[%dma_wait3A_47, %dma_wait3A_48] : memref<10112x16xf32, #tpu.memory_space<vmem_shared>> -> memref<10112x16xf32, #tpu.memory_space<vmem_shared>>
      tpu.wait_indirect_dma semaphore(%arg17 : memref<!tpu.dma_semaphore, #tpu.memory_space<semaphore_mem>>) src(%arg15 : memref<1024x16xf32, #tpu.memory_space<vmem>>) dst(%dma_wait3A_49 : memref<10112x16xf32, #tpu.memory_space<vmem_shared>>)
    }
    %scan3A_41 = arith.constant 10 : i32
    %barrier3A_42 = arith.constant 0 : index
    tpu.barrier barrier_id(%barrier3A_42)
    "tpu.region"() ({
      %run_scoped3A_43 = tpu.sem_alloc : memref<!tpu.dma_semaphore, #tpu.memory_space<semaphore_mem>>
      %dma_start3A_44 = arith.constant 0 : i32
      %dma_start3A_45 = tpu.memref_slice %arg11[%mul3A_2, %dma_start3A_44] : memref<10112x16xf32, #tpu.memory_space<vmem_shared>> -> memref<632x16xf32, #tpu.memory_space<vmem_shared>>
      %dma_start3A_46 = arith.constant 0 : i32
      %dma_start3A_47 = tpu.memref_slice %arg11[%mul3A_2, %dma_start3A_46] : memref<10112x16xf32, #tpu.memory_space<vmem_shared>> -> memref<632x16xf32, #tpu.memory_space<vmem_shared>>
      tpu.enqueue_dma source(%dma_start3A_47 : memref<632x16xf32, #tpu.memory_space<vmem_shared>>) target(%arg10 : memref<632x16xf32, #tpu.memory_space<vmem>>) target_semaphore(%run_scoped3A_43 : memref<!tpu.dma_semaphore, #tpu.memory_space<semaphore_mem>>)
      %dma_wait3A = arith.constant 0 : i32
      %dma_wait3A_48 = tpu.memref_slice %arg11[%mul3A_2, %dma_wait3A] : memref<10112x16xf32, #tpu.memory_space<vmem_shared>> -> memref<632x16xf32, #tpu.memory_space<vmem_shared>>
      %dma_wait3A_49 = arith.constant 0 : i32
      %dma_wait3A_50 = tpu.memref_slice %arg11[%mul3A_2, %dma_wait3A_49] : memref<10112x16xf32, #tpu.memory_space<vmem_shared>> -> memref<632x16xf32, #tpu.memory_space<vmem_shared>>
      tpu.wait_dma2 semaphore(%run_scoped3A_43 : memref<!tpu.dma_semaphore, #tpu.memory_space<semaphore_mem>>) src(%dma_wait3A_50 : memref<632x16xf32, #tpu.memory_space<vmem_shared>>) dst(%arg10 : memref<632x16xf32, #tpu.memory_space<vmem>>)
      tpu.yield
    }) : () -> ()
    "tpu.region"() ({
      %run_scoped3A_43 = tpu.sem_alloc : memref<!tpu.dma_semaphore, #tpu.memory_space<semaphore_mem>>
      %dma_start3A_44 = arith.constant 0 : i32
      %dma_start3A_45 = arith.constant 0 : i32
      %dma_start3A_46 = tpu.memref_slice %arg4[%arg0, %dma_start3A_44, %dma_start3A_45] : memref<2x10112x16xf32, #tpu.memory_space<hbm>> -> memref<1x10112x16xf32, #tpu.memory_space<hbm>>
      %dma_start3A_47 = tpu.memref_squeeze %dma_start3A_46 : memref<1x10112x16xf32, #tpu.memory_space<hbm>> -> memref<10112x16xf32, #tpu.memory_space<hbm>>
      %dma_start3A_48 = arith.constant 0 : i32
      %dma_start3A_49 = tpu.memref_slice %dma_start3A_47[%mul3A_2, %dma_start3A_48] : memref<10112x16xf32, #tpu.memory_space<hbm>> -> memref<632x16xf32, #tpu.memory_space<hbm>>
      %dma_start3A_50 = arith.constant 0 : i32
      %dma_start3A_51 = arith.constant 0 : i32
      %dma_start3A_52 = tpu.memref_slice %arg4[%arg0, %dma_start3A_50, %dma_start3A_51] : memref<2x10112x16xf32, #tpu.memory_space<hbm>> -> memref<1x10112x16xf32, #tpu.memory_space<hbm>>
      %dma_start3A_53 = tpu.memref_squeeze %dma_start3A_52 : memref<1x10112x16xf32, #tpu.memory_space<hbm>> -> memref<10112x16xf32, #tpu.memory_space<hbm>>
      %dma_start3A_54 = arith.constant 0 : i32
      %dma_start3A_55 = tpu.memref_slice %dma_start3A_53[%mul3A_2, %dma_start3A_54] : memref<10112x16xf32, #tpu.memory_space<hbm>> -> memref<632x16xf32, #tpu.memory_space<hbm>>
      tpu.enqueue_dma source(%arg10 : memref<632x16xf32, #tpu.memory_space<vmem>>) target(%dma_start3A_55 : memref<632x16xf32, #tpu.memory_space<hbm>>) target_semaphore(%run_scoped3A_43 : memref<!tpu.dma_semaphore, #tpu.memory_space<semaphore_mem>>)
      %dma_wait3A = arith.constant 0 : i32
      %dma_wait3A_56 = arith.constant 0 : i32
      %dma_wait3A_57 = tpu.memref_slice %arg4[%arg0, %dma_wait3A, %dma_wait3A_56] : memref<2x10112x16xf32, #tpu.memory_space<hbm>> -> memref<1x10112x16xf32, #tpu.memory_space<hbm>>
      %dma_wait3A_58 = tpu.memref_squeeze %dma_wait3A_57 : memref<1x10112x16xf32, #tpu.memory_space<hbm>> -> memref<10112x16xf32, #tpu.memory_space<hbm>>
      %dma_wait3A_59 = arith.constant 0 : i32
      %dma_wait3A_60 = tpu.memref_slice %dma_wait3A_58[%mul3A_2, %dma_wait3A_59] : memref<10112x16xf32, #tpu.memory_space<hbm>> -> memref<632x16xf32, #tpu.memory_space<hbm>>
      %dma_wait3A_61 = arith.constant 0 : i32
      %dma_wait3A_62 = arith.constant 0 : i32
      %dma_wait3A_63 = tpu.memref_slice %arg4[%arg0, %dma_wait3A_61, %dma_wait3A_62] : memref<2x10112x16xf32, #tpu.memory_space<hbm>> -> memref<1x10112x16xf32, #tpu.memory_space<hbm>>
      %dma_wait3A_64 = tpu.memref_squeeze %dma_wait3A_63 : memref<1x10112x16xf32, #tpu.memory_space<hbm>> -> memref<10112x16xf32, #tpu.memory_space<hbm>>
      %dma_wait3A_65 = arith.constant 0 : i32
      %dma_wait3A_66 = tpu.memref_slice %dma_wait3A_64[%mul3A_2, %dma_wait3A_65] : memref<10112x16xf32, #tpu.memory_space<hbm>> -> memref<632x16xf32, #tpu.memory_space<hbm>>
      tpu.wait_dma2 semaphore(%run_scoped3A_43 : memref<!tpu.dma_semaphore, #tpu.memory_space<semaphore_mem>>) src(%arg10 : memref<632x16xf32, #tpu.memory_space<vmem>>) dst(%dma_wait3A_66 : memref<632x16xf32, #tpu.memory_space<hbm>>)
      tpu.yield
    }) : () -> ()
    "tpu.region"() ({
      %run_scoped3A_43 = tpu.sem_alloc : memref<!tpu.dma_semaphore, #tpu.memory_space<semaphore_mem>>
      %dma_start3A_44 = arith.constant 0 : i32
      %dma_start3A_45 = tpu.memref_slice %arg16[%mul3A_2, %dma_start3A_44] : memref<10112x16xf32, #tpu.memory_space<vmem_shared>> -> memref<632x16xf32, #tpu.memory_space<vmem_shared>>
      %dma_start3A_46 = arith.constant 0 : i32
      %dma_start3A_47 = tpu.memref_slice %arg16[%mul3A_2, %dma_start3A_46] : memref<10112x16xf32, #tpu.memory_space<vmem_shared>> -> memref<632x16xf32, #tpu.memory_space<vmem_shared>>
      tpu.enqueue_dma source(%dma_start3A_47 : memref<632x16xf32, #tpu.memory_space<vmem_shared>>) target(%arg10 : memref<632x16xf32, #tpu.memory_space<vmem>>) target_semaphore(%run_scoped3A_43 : memref<!tpu.dma_semaphore, #tpu.memory_space<semaphore_mem>>)
      %dma_wait3A = arith.constant 0 : i32
      %dma_wait3A_48 = tpu.memref_slice %arg16[%mul3A_2, %dma_wait3A] : memref<10112x16xf32, #tpu.memory_space<vmem_shared>> -> memref<632x16xf32, #tpu.memory_space<vmem_shared>>
      %dma_wait3A_49 = arith.constant 0 : i32
      %dma_wait3A_50 = tpu.memref_slice %arg16[%mul3A_2, %dma_wait3A_49] : memref<10112x16xf32, #tpu.memory_space<vmem_shared>> -> memref<632x16xf32, #tpu.memory_space<vmem_shared>>
      tpu.wait_dma2 semaphore(%run_scoped3A_43 : memref<!tpu.dma_semaphore, #tpu.memory_space<semaphore_mem>>) src(%dma_wait3A_50 : memref<632x16xf32, #tpu.memory_space<vmem_shared>>) dst(%arg10 : memref<632x16xf32, #tpu.memory_space<vmem>>)
      tpu.yield
    }) : () -> ()
    "tpu.region"() ({
      %run_scoped3A_43 = tpu.sem_alloc : memref<!tpu.dma_semaphore, #tpu.memory_space<semaphore_mem>>
      %dma_start3A_44 = arith.constant 0 : i32
      %dma_start3A_45 = arith.constant 0 : i32
      %dma_start3A_46 = tpu.memref_slice %arg5[%arg0, %dma_start3A_44, %dma_start3A_45] : memref<2x10112x16xf32, #tpu.memory_space<hbm>> -> memref<1x10112x16xf32, #tpu.memory_space<hbm>>
      %dma_start3A_47 = tpu.memref_squeeze %dma_start3A_46 : memref<1x10112x16xf32, #tpu.memory_space<hbm>> -> memref<10112x16xf32, #tpu.memory_space<hbm>>
      %dma_start3A_48 = arith.constant 0 : i32
      %dma_start3A_49 = tpu.memref_slice %dma_start3A_47[%mul3A_2, %dma_start3A_48] : memref<10112x16xf32, #tpu.memory_space<hbm>> -> memref<632x16xf32, #tpu.memory_space<hbm>>
      %dma_start3A_50 = arith.constant 0 : i32
      %dma_start3A_51 = arith.constant 0 : i32
      %dma_start3A_52 = tpu.memref_slice %arg5[%arg0, %dma_start3A_50, %dma_start3A_51] : memref<2x10112x16xf32, #tpu.memory_space<hbm>> -> memref<1x10112x16xf32, #tpu.memory_space<hbm>>
      %dma_start3A_53 = tpu.memref_squeeze %dma_start3A_52 : memref<1x10112x16xf32, #tpu.memory_space<hbm>> -> memref<10112x16xf32, #tpu.memory_space<hbm>>
      %dma_start3A_54 = arith.constant 0 : i32
      %dma_start3A_55 = tpu.memref_slice %dma_start3A_53[%mul3A_2, %dma_start3A_54] : memref<10112x16xf32, #tpu.memory_space<hbm>> -> memref<632x16xf32, #tpu.memory_space<hbm>>
      tpu.enqueue_dma source(%arg10 : memref<632x16xf32, #tpu.memory_space<vmem>>) target(%dma_start3A_55 : memref<632x16xf32, #tpu.memory_space<hbm>>) target_semaphore(%run_scoped3A_43 : memref<!tpu.dma_semaphore, #tpu.memory_space<semaphore_mem>>)
      %dma_wait3A = arith.constant 0 : i32
      %dma_wait3A_56 = arith.constant 0 : i32
      %dma_wait3A_57 = tpu.memref_slice %arg5[%arg0, %dma_wait3A, %dma_wait3A_56] : memref<2x10112x16xf32, #tpu.memory_space<hbm>> -> memref<1x10112x16xf32, #tpu.memory_space<hbm>>
      %dma_wait3A_58 = tpu.memref_squeeze %dma_wait3A_57 : memref<1x10112x16xf32, #tpu.memory_space<hbm>> -> memref<10112x16xf32, #tpu.memory_space<hbm>>
      %dma_wait3A_59 = arith.constant 0 : i32
      %dma_wait3A_60 = tpu.memref_slice %dma_wait3A_58[%mul3A_2, %dma_wait3A_59] : memref<10112x16xf32, #tpu.memory_space<hbm>> -> memref<632x16xf32, #tpu.memory_space<hbm>>
      %dma_wait3A_61 = arith.constant 0 : i32
      %dma_wait3A_62 = arith.constant 0 : i32
      %dma_wait3A_63 = tpu.memref_slice %arg5[%arg0, %dma_wait3A_61, %dma_wait3A_62] : memref<2x10112x16xf32, #tpu.memory_space<hbm>> -> memref<1x10112x16xf32, #tpu.memory_space<hbm>>
      %dma_wait3A_64 = tpu.memref_squeeze %dma_wait3A_63 : memref<1x10112x16xf32, #tpu.memory_space<hbm>> -> memref<10112x16xf32, #tpu.memory_space<hbm>>
      %dma_wait3A_65 = arith.constant 0 : i32
      %dma_wait3A_66 = tpu.memref_slice %dma_wait3A_64[%mul3A_2, %dma_wait3A_65] : memref<10112x16xf32, #tpu.memory_space<hbm>> -> memref<632x16xf32, #tpu.memory_space<hbm>>
      tpu.wait_dma2 semaphore(%run_scoped3A_43 : memref<!tpu.dma_semaphore, #tpu.memory_space<semaphore_mem>>) src(%arg10 : memref<632x16xf32, #tpu.memory_space<vmem>>) dst(%dma_wait3A_66 : memref<632x16xf32, #tpu.memory_space<hbm>>)
      tpu.yield
    }) : () -> ()
    return
  }
}

#map = affine_map<(d0, d1) -> (0, 0, 0, 0)>
#map1 = affine_map<(d0, d1) -> (0, 0, 0)>
#map2 = affine_map<(d0, d1) -> (0, 0)>
module attributes {stable_mosaic.version = 14 : i64} {
  func.func @body(%arg0: i32, %arg1: i32, %arg2: memref<2x32x10x1024xi32, #tpu.memory_space<hbm>>, %arg3: memref<2x10112x16xf32, #tpu.memory_space<hbm>>, %arg4: memref<2x10112x16xf32, #tpu.memory_space<hbm>>, %arg5: memref<10000x16xf32, #tpu.memory_space<hbm>>, %arg6: memref<2x10112x16xf32, #tpu.memory_space<hbm>>, %arg7: memref<10x1024xi32, #tpu.memory_space<vmem>>, %arg8: memref<10x1024xi32, #tpu.memory_space<vmem>>, %arg9: memref<1024x16xf32, #tpu.memory_space<vmem>>, %arg10: memref<1024x16xf32, #tpu.memory_space<vmem>>, %arg11: memref<632x16xf32, #tpu.memory_space<vmem>>, %arg12: memref<632x16xf32, #tpu.memory_space<vmem>>, %arg13: memref<632x16xf32, #tpu.memory_space<vmem>>, %arg14: memref<632x16xf32, #tpu.memory_space<vmem>>, %arg15: memref<632x16xf32, #tpu.memory_space<vmem>>, %arg16: memref<10112x16xf32, #tpu.memory_space<vmem_shared>>, %arg17: memref<10112x16xf32, #tpu.memory_space<vmem_shared>>, %arg18: memref<!tpu.dma_semaphore, #tpu.memory_space<semaphore_mem>>, %arg19: memref<!tpu.dma_semaphore, #tpu.memory_space<semaphore_mem>>) attributes {dimension_semantics = [#tpu.dimension_semantics<core_parallel>, #tpu.dimension_semantics<subcore_parallel>], iteration_bounds = array<i64: 2, 16>, scalar_prefetch = 0 : i64, scratch_operands = 13 : i64, tpu.core_type = #tpu.core_type<sc_vector_subcore>, window_params = [{transform_indices = #map}, {transform_indices = #map1}, {transform_indices = #map1}, {transform_indices = #map2}, {transform_indices = #map1}]} {
    %mul3A = arith.constant 2 : i32
    %mul3A_0 = arith.muli %arg1, %mul3A : i32
    %add3A = arith.addi %mul3A_0, %arg0 : i32
    %mul3A_1 = arith.constant 632 : i32
    %mul3A_2 = arith.muli %arg1, %mul3A_1 : i32
    %eq3A = arith.constant 15 : i32
    %eq3A_3 = arith.cmpi eq, %arg1, %eq3A : i32
    %jit3A = arith.constant 520 : i32
    %jit3A_4 = arith.constant 632 : i32
    %select_n3A = arith.select %eq3A_3, %jit3A, %jit3A_4 : i32
    %dma_start3A = arith.constant 0 : i32
    %dma_start3A_5 = arith.constant 0 : i32
    %dma_start3A_6 = arith.constant 0 : i32
    %dma_start3A_7 = tpu.memref_slice %arg3[%dma_start3A, %dma_start3A_5, %dma_start3A_6] : memref<2x10112x16xf32, #tpu.memory_space<hbm>> -> memref<1x10112x16xf32, #tpu.memory_space<hbm>>
    %dma_start3A_8 = tpu.memref_squeeze %dma_start3A_7 : memref<1x10112x16xf32, #tpu.memory_space<hbm>> -> memref<10112x16xf32, #tpu.memory_space<hbm>>
    %dma_start3A_9 = arith.constant 0 : i32
    %dma_start3A_10 = tpu.memref_slice %dma_start3A_8[%mul3A_2, %dma_start3A_9] : memref<10112x16xf32, #tpu.memory_space<hbm>> -> memref<632x16xf32, #tpu.memory_space<hbm>>
    %dma_start3A_11 = arith.constant 0 : i32
    %dma_start3A_12 = arith.constant 0 : i32
    %dma_start3A_13 = tpu.memref_slice %arg3[%dma_start3A, %dma_start3A_11, %dma_start3A_12] : memref<2x10112x16xf32, #tpu.memory_space<hbm>> -> memref<1x10112x16xf32, #tpu.memory_space<hbm>>
    %dma_start3A_14 = tpu.memref_squeeze %dma_start3A_13 : memref<1x10112x16xf32, #tpu.memory_space<hbm>> -> memref<10112x16xf32, #tpu.memory_space<hbm>>
    %dma_start3A_15 = arith.constant 0 : i32
    %dma_start3A_16 = tpu.memref_slice %dma_start3A_14[%mul3A_2, %dma_start3A_15] : memref<10112x16xf32, #tpu.memory_space<hbm>> -> memref<632x16xf32, #tpu.memory_space<hbm>>
    tpu.enqueue_dma source(%dma_start3A_16 : memref<632x16xf32, #tpu.memory_space<hbm>>) target(%arg12 : memref<632x16xf32, #tpu.memory_space<vmem>>) target_semaphore(%arg18 : memref<!tpu.dma_semaphore, #tpu.memory_space<semaphore_mem>>)
    %dma_start3A_17 = arith.constant 1 : i32
    %dma_start3A_18 = arith.constant 0 : i32
    %dma_start3A_19 = arith.constant 0 : i32
    %dma_start3A_20 = tpu.memref_slice %arg3[%dma_start3A_17, %dma_start3A_18, %dma_start3A_19] : memref<2x10112x16xf32, #tpu.memory_space<hbm>> -> memref<1x10112x16xf32, #tpu.memory_space<hbm>>
    %dma_start3A_21 = tpu.memref_squeeze %dma_start3A_20 : memref<1x10112x16xf32, #tpu.memory_space<hbm>> -> memref<10112x16xf32, #tpu.memory_space<hbm>>
    %dma_start3A_22 = arith.constant 0 : i32
    %dma_start3A_23 = tpu.memref_slice %dma_start3A_21[%mul3A_2, %dma_start3A_22] : memref<10112x16xf32, #tpu.memory_space<hbm>> -> memref<632x16xf32, #tpu.memory_space<hbm>>
    %dma_start3A_24 = arith.constant 0 : i32
    %dma_start3A_25 = arith.constant 0 : i32
    %dma_start3A_26 = tpu.memref_slice %arg3[%dma_start3A_17, %dma_start3A_24, %dma_start3A_25] : memref<2x10112x16xf32, #tpu.memory_space<hbm>> -> memref<1x10112x16xf32, #tpu.memory_space<hbm>>
    %dma_start3A_27 = tpu.memref_squeeze %dma_start3A_26 : memref<1x10112x16xf32, #tpu.memory_space<hbm>> -> memref<10112x16xf32, #tpu.memory_space<hbm>>
    %dma_start3A_28 = arith.constant 0 : i32
    %dma_start3A_29 = tpu.memref_slice %dma_start3A_27[%mul3A_2, %dma_start3A_28] : memref<10112x16xf32, #tpu.memory_space<hbm>> -> memref<632x16xf32, #tpu.memory_space<hbm>>
    tpu.enqueue_dma source(%dma_start3A_29 : memref<632x16xf32, #tpu.memory_space<hbm>>) target(%arg13 : memref<632x16xf32, #tpu.memory_space<vmem>>) target_semaphore(%arg18 : memref<!tpu.dma_semaphore, #tpu.memory_space<semaphore_mem>>)
    %dma_start3A_30 = arith.constant 0 : i32
    %dma_start3A_31 = arith.constant 0 : i32
    %dma_start3A_32 = arith.constant 0 : i32
    %dma_start3A_33 = tpu.memref_slice %arg4[%dma_start3A_30, %dma_start3A_31, %dma_start3A_32] : memref<2x10112x16xf32, #tpu.memory_space<hbm>> -> memref<1x10112x16xf32, #tpu.memory_space<hbm>>
    %dma_start3A_34 = tpu.memref_squeeze %dma_start3A_33 : memref<1x10112x16xf32, #tpu.memory_space<hbm>> -> memref<10112x16xf32, #tpu.memory_space<hbm>>
    %dma_start3A_35 = arith.constant 0 : i32
    %dma_start3A_36 = tpu.memref_slice %dma_start3A_34[%mul3A_2, %dma_start3A_35] : memref<10112x16xf32, #tpu.memory_space<hbm>> -> memref<632x16xf32, #tpu.memory_space<hbm>>
    %dma_start3A_37 = arith.constant 0 : i32
    %dma_start3A_38 = arith.constant 0 : i32
    %dma_start3A_39 = tpu.memref_slice %arg4[%dma_start3A_30, %dma_start3A_37, %dma_start3A_38] : memref<2x10112x16xf32, #tpu.memory_space<hbm>> -> memref<1x10112x16xf32, #tpu.memory_space<hbm>>
    %dma_start3A_40 = tpu.memref_squeeze %dma_start3A_39 : memref<1x10112x16xf32, #tpu.memory_space<hbm>> -> memref<10112x16xf32, #tpu.memory_space<hbm>>
    %dma_start3A_41 = arith.constant 0 : i32
    %dma_start3A_42 = tpu.memref_slice %dma_start3A_40[%mul3A_2, %dma_start3A_41] : memref<10112x16xf32, #tpu.memory_space<hbm>> -> memref<632x16xf32, #tpu.memory_space<hbm>>
    tpu.enqueue_dma source(%dma_start3A_42 : memref<632x16xf32, #tpu.memory_space<hbm>>) target(%arg14 : memref<632x16xf32, #tpu.memory_space<vmem>>) target_semaphore(%arg18 : memref<!tpu.dma_semaphore, #tpu.memory_space<semaphore_mem>>)
    %dma_start3A_43 = arith.constant 1 : i32
    %dma_start3A_44 = arith.constant 0 : i32
    %dma_start3A_45 = arith.constant 0 : i32
    %dma_start3A_46 = tpu.memref_slice %arg4[%dma_start3A_43, %dma_start3A_44, %dma_start3A_45] : memref<2x10112x16xf32, #tpu.memory_space<hbm>> -> memref<1x10112x16xf32, #tpu.memory_space<hbm>>
    %dma_start3A_47 = tpu.memref_squeeze %dma_start3A_46 : memref<1x10112x16xf32, #tpu.memory_space<hbm>> -> memref<10112x16xf32, #tpu.memory_space<hbm>>
    %dma_start3A_48 = arith.constant 0 : i32
    %dma_start3A_49 = tpu.memref_slice %dma_start3A_47[%mul3A_2, %dma_start3A_48] : memref<10112x16xf32, #tpu.memory_space<hbm>> -> memref<632x16xf32, #tpu.memory_space<hbm>>
    %dma_start3A_50 = arith.constant 0 : i32
    %dma_start3A_51 = arith.constant 0 : i32
    %dma_start3A_52 = tpu.memref_slice %arg4[%dma_start3A_43, %dma_start3A_50, %dma_start3A_51] : memref<2x10112x16xf32, #tpu.memory_space<hbm>> -> memref<1x10112x16xf32, #tpu.memory_space<hbm>>
    %dma_start3A_53 = tpu.memref_squeeze %dma_start3A_52 : memref<1x10112x16xf32, #tpu.memory_space<hbm>> -> memref<10112x16xf32, #tpu.memory_space<hbm>>
    %dma_start3A_54 = arith.constant 0 : i32
    %dma_start3A_55 = tpu.memref_slice %dma_start3A_53[%mul3A_2, %dma_start3A_54] : memref<10112x16xf32, #tpu.memory_space<hbm>> -> memref<632x16xf32, #tpu.memory_space<hbm>>
    tpu.enqueue_dma source(%dma_start3A_55 : memref<632x16xf32, #tpu.memory_space<hbm>>) target(%arg15 : memref<632x16xf32, #tpu.memory_space<vmem>>) target_semaphore(%arg18 : memref<!tpu.dma_semaphore, #tpu.memory_space<semaphore_mem>>)
    %lt3A = arith.constant 15 : i32
    %lt3A_56 = arith.cmpi slt, %arg1, %lt3A : i32
    %convert_element_type3A = arith.extui %lt3A_56 : i1 to i32
    %cond3A = arith.constant 0 : i32
    %cond3A_57 = arith.cmpi ne, %convert_element_type3A, %cond3A : i32
    scf.if %cond3A_57 {
      %dma_start3A_164 = arith.constant 0 : i32
      %dma_start3A_165 = tpu.memref_slice %arg5[%mul3A_2, %dma_start3A_164] : memref<10000x16xf32, #tpu.memory_space<hbm>> -> memref<632x16xf32, #tpu.memory_space<hbm>>
      %dma_start3A_166 = arith.constant 0 : i32
      %dma_start3A_167 = tpu.memref_slice %arg5[%mul3A_2, %dma_start3A_166] : memref<10000x16xf32, #tpu.memory_space<hbm>> -> memref<632x16xf32, #tpu.memory_space<hbm>>
      tpu.enqueue_dma source(%dma_start3A_167 : memref<632x16xf32, #tpu.memory_space<hbm>>) target(%arg11 : memref<632x16xf32, #tpu.memory_space<vmem>>) target_semaphore(%arg19 : memref<!tpu.dma_semaphore, #tpu.memory_space<semaphore_mem>>)
    } else {
    }
    %eq3A_58 = arith.constant 15 : i32
    %eq3A_59 = arith.cmpi eq, %arg1, %eq3A_58 : i32
    %convert_element_type3A_60 = arith.extui %eq3A_59 : i1 to i32
    %cond3A_61 = arith.constant 0 : i32
    %cond3A_62 = arith.cmpi ne, %convert_element_type3A_60, %cond3A_61 : i32
    scf.if %cond3A_62 {
      %dma_start3A_164 = arith.constant 0 : i32
      %dma_start3A_165 = arith.constant 0 : i32
      %dma_start3A_166 = tpu.memref_slice %arg11[%dma_start3A_164, %dma_start3A_165] : memref<632x16xf32, #tpu.memory_space<vmem>> -> memref<520x16xf32, #tpu.memory_space<vmem>>
      %dma_start3A_167 = arith.constant 9480 : i32
      %dma_start3A_168 = arith.constant 0 : i32
      %dma_start3A_169 = tpu.memref_slice %arg5[%dma_start3A_167, %dma_start3A_168] : memref<10000x16xf32, #tpu.memory_space<hbm>> -> memref<520x16xf32, #tpu.memory_space<hbm>>
      %dma_start3A_170 = arith.constant 0 : i32
      %dma_start3A_171 = arith.constant 0 : i32
      %dma_start3A_172 = tpu.memref_slice %arg11[%dma_start3A_170, %dma_start3A_171] : memref<632x16xf32, #tpu.memory_space<vmem>> -> memref<520x16xf32, #tpu.memory_space<vmem>>
      %dma_start3A_173 = arith.constant 9480 : i32
      %dma_start3A_174 = arith.constant 0 : i32
      %dma_start3A_175 = tpu.memref_slice %arg5[%dma_start3A_173, %dma_start3A_174] : memref<10000x16xf32, #tpu.memory_space<hbm>> -> memref<520x16xf32, #tpu.memory_space<hbm>>
      tpu.enqueue_dma source(%dma_start3A_175 : memref<520x16xf32, #tpu.memory_space<hbm>>) target(%dma_start3A_172 : memref<520x16xf32, #tpu.memory_space<vmem>>) target_semaphore(%arg19 : memref<!tpu.dma_semaphore, #tpu.memory_space<semaphore_mem>>)
    } else {
    }
    %dma_wait3A = arith.constant 0 : i32
    %dma_wait3A_63 = arith.constant 0 : i32
    %dma_wait3A_64 = arith.constant 0 : i32
    %dma_wait3A_65 = tpu.memref_slice %arg3[%dma_wait3A, %dma_wait3A_63, %dma_wait3A_64] : memref<2x10112x16xf32, #tpu.memory_space<hbm>> -> memref<1x10112x16xf32, #tpu.memory_space<hbm>>
    %dma_wait3A_66 = tpu.memref_squeeze %dma_wait3A_65 : memref<1x10112x16xf32, #tpu.memory_space<hbm>> -> memref<10112x16xf32, #tpu.memory_space<hbm>>
    %dma_wait3A_67 = arith.constant 0 : i32
    %dma_wait3A_68 = tpu.memref_slice %dma_wait3A_66[%mul3A_2, %dma_wait3A_67] : memref<10112x16xf32, #tpu.memory_space<hbm>> -> memref<632x16xf32, #tpu.memory_space<hbm>>
    %dma_wait3A_69 = arith.constant 0 : i32
    %dma_wait3A_70 = arith.constant 0 : i32
    %dma_wait3A_71 = tpu.memref_slice %arg3[%dma_wait3A, %dma_wait3A_69, %dma_wait3A_70] : memref<2x10112x16xf32, #tpu.memory_space<hbm>> -> memref<1x10112x16xf32, #tpu.memory_space<hbm>>
    %dma_wait3A_72 = tpu.memref_squeeze %dma_wait3A_71 : memref<1x10112x16xf32, #tpu.memory_space<hbm>> -> memref<10112x16xf32, #tpu.memory_space<hbm>>
    %dma_wait3A_73 = arith.constant 0 : i32
    %dma_wait3A_74 = tpu.memref_slice %dma_wait3A_72[%mul3A_2, %dma_wait3A_73] : memref<10112x16xf32, #tpu.memory_space<hbm>> -> memref<632x16xf32, #tpu.memory_space<hbm>>
    tpu.wait_dma2 semaphore(%arg18 : memref<!tpu.dma_semaphore, #tpu.memory_space<semaphore_mem>>) src(%dma_wait3A_74 : memref<632x16xf32, #tpu.memory_space<hbm>>) dst(%arg12 : memref<632x16xf32, #tpu.memory_space<vmem>>)
    %dma_wait3A_75 = arith.constant 1 : i32
    %dma_wait3A_76 = arith.constant 0 : i32
    %dma_wait3A_77 = arith.constant 0 : i32
    %dma_wait3A_78 = tpu.memref_slice %arg3[%dma_wait3A_75, %dma_wait3A_76, %dma_wait3A_77] : memref<2x10112x16xf32, #tpu.memory_space<hbm>> -> memref<1x10112x16xf32, #tpu.memory_space<hbm>>
    %dma_wait3A_79 = tpu.memref_squeeze %dma_wait3A_78 : memref<1x10112x16xf32, #tpu.memory_space<hbm>> -> memref<10112x16xf32, #tpu.memory_space<hbm>>
    %dma_wait3A_80 = arith.constant 0 : i32
    %dma_wait3A_81 = tpu.memref_slice %dma_wait3A_79[%mul3A_2, %dma_wait3A_80] : memref<10112x16xf32, #tpu.memory_space<hbm>> -> memref<632x16xf32, #tpu.memory_space<hbm>>
    %dma_wait3A_82 = arith.constant 0 : i32
    %dma_wait3A_83 = arith.constant 0 : i32
    %dma_wait3A_84 = tpu.memref_slice %arg3[%dma_wait3A_75, %dma_wait3A_82, %dma_wait3A_83] : memref<2x10112x16xf32, #tpu.memory_space<hbm>> -> memref<1x10112x16xf32, #tpu.memory_space<hbm>>
    %dma_wait3A_85 = tpu.memref_squeeze %dma_wait3A_84 : memref<1x10112x16xf32, #tpu.memory_space<hbm>> -> memref<10112x16xf32, #tpu.memory_space<hbm>>
    %dma_wait3A_86 = arith.constant 0 : i32
    %dma_wait3A_87 = tpu.memref_slice %dma_wait3A_85[%mul3A_2, %dma_wait3A_86] : memref<10112x16xf32, #tpu.memory_space<hbm>> -> memref<632x16xf32, #tpu.memory_space<hbm>>
    tpu.wait_dma2 semaphore(%arg18 : memref<!tpu.dma_semaphore, #tpu.memory_space<semaphore_mem>>) src(%dma_wait3A_87 : memref<632x16xf32, #tpu.memory_space<hbm>>) dst(%arg13 : memref<632x16xf32, #tpu.memory_space<vmem>>)
    %dma_wait3A_88 = arith.constant 0 : i32
    %dma_wait3A_89 = arith.constant 0 : i32
    %dma_wait3A_90 = arith.constant 0 : i32
    %dma_wait3A_91 = tpu.memref_slice %arg4[%dma_wait3A_88, %dma_wait3A_89, %dma_wait3A_90] : memref<2x10112x16xf32, #tpu.memory_space<hbm>> -> memref<1x10112x16xf32, #tpu.memory_space<hbm>>
    %dma_wait3A_92 = tpu.memref_squeeze %dma_wait3A_91 : memref<1x10112x16xf32, #tpu.memory_space<hbm>> -> memref<10112x16xf32, #tpu.memory_space<hbm>>
    %dma_wait3A_93 = arith.constant 0 : i32
    %dma_wait3A_94 = tpu.memref_slice %dma_wait3A_92[%mul3A_2, %dma_wait3A_93] : memref<10112x16xf32, #tpu.memory_space<hbm>> -> memref<632x16xf32, #tpu.memory_space<hbm>>
    %dma_wait3A_95 = arith.constant 0 : i32
    %dma_wait3A_96 = arith.constant 0 : i32
    %dma_wait3A_97 = tpu.memref_slice %arg4[%dma_wait3A_88, %dma_wait3A_95, %dma_wait3A_96] : memref<2x10112x16xf32, #tpu.memory_space<hbm>> -> memref<1x10112x16xf32, #tpu.memory_space<hbm>>
    %dma_wait3A_98 = tpu.memref_squeeze %dma_wait3A_97 : memref<1x10112x16xf32, #tpu.memory_space<hbm>> -> memref<10112x16xf32, #tpu.memory_space<hbm>>
    %dma_wait3A_99 = arith.constant 0 : i32
    %dma_wait3A_100 = tpu.memref_slice %dma_wait3A_98[%mul3A_2, %dma_wait3A_99] : memref<10112x16xf32, #tpu.memory_space<hbm>> -> memref<632x16xf32, #tpu.memory_space<hbm>>
    tpu.wait_dma2 semaphore(%arg18 : memref<!tpu.dma_semaphore, #tpu.memory_space<semaphore_mem>>) src(%dma_wait3A_100 : memref<632x16xf32, #tpu.memory_space<hbm>>) dst(%arg14 : memref<632x16xf32, #tpu.memory_space<vmem>>)
    %dma_wait3A_101 = arith.constant 1 : i32
    %dma_wait3A_102 = arith.constant 0 : i32
    %dma_wait3A_103 = arith.constant 0 : i32
    %dma_wait3A_104 = tpu.memref_slice %arg4[%dma_wait3A_101, %dma_wait3A_102, %dma_wait3A_103] : memref<2x10112x16xf32, #tpu.memory_space<hbm>> -> memref<1x10112x16xf32, #tpu.memory_space<hbm>>
    %dma_wait3A_105 = tpu.memref_squeeze %dma_wait3A_104 : memref<1x10112x16xf32, #tpu.memory_space<hbm>> -> memref<10112x16xf32, #tpu.memory_space<hbm>>
    %dma_wait3A_106 = arith.constant 0 : i32
    %dma_wait3A_107 = tpu.memref_slice %dma_wait3A_105[%mul3A_2, %dma_wait3A_106] : memref<10112x16xf32, #tpu.memory_space<hbm>> -> memref<632x16xf32, #tpu.memory_space<hbm>>
    %dma_wait3A_108 = arith.constant 0 : i32
    %dma_wait3A_109 = arith.constant 0 : i32
    %dma_wait3A_110 = tpu.memref_slice %arg4[%dma_wait3A_101, %dma_wait3A_108, %dma_wait3A_109] : memref<2x10112x16xf32, #tpu.memory_space<hbm>> -> memref<1x10112x16xf32, #tpu.memory_space<hbm>>
    %dma_wait3A_111 = tpu.memref_squeeze %dma_wait3A_110 : memref<1x10112x16xf32, #tpu.memory_space<hbm>> -> memref<10112x16xf32, #tpu.memory_space<hbm>>
    %dma_wait3A_112 = arith.constant 0 : i32
    %dma_wait3A_113 = tpu.memref_slice %dma_wait3A_111[%mul3A_2, %dma_wait3A_112] : memref<10112x16xf32, #tpu.memory_space<hbm>> -> memref<632x16xf32, #tpu.memory_space<hbm>>
    tpu.wait_dma2 semaphore(%arg18 : memref<!tpu.dma_semaphore, #tpu.memory_space<semaphore_mem>>) src(%dma_wait3A_113 : memref<632x16xf32, #tpu.memory_space<hbm>>) dst(%arg15 : memref<632x16xf32, #tpu.memory_space<vmem>>)
    %lt3A_114 = arith.constant 15 : i32
    %lt3A_115 = arith.cmpi slt, %arg1, %lt3A_114 : i32
    %convert_element_type3A_116 = arith.extui %lt3A_115 : i1 to i32
    %cond3A_117 = arith.constant 0 : i32
    %cond3A_118 = arith.cmpi ne, %convert_element_type3A_116, %cond3A_117 : i32
    scf.if %cond3A_118 {
      %dma_wait3A_164 = arith.constant 0 : i32
      %dma_wait3A_165 = tpu.memref_slice %arg5[%mul3A_2, %dma_wait3A_164] : memref<10000x16xf32, #tpu.memory_space<hbm>> -> memref<632x16xf32, #tpu.memory_space<hbm>>
      %dma_wait3A_166 = arith.constant 0 : i32
      %dma_wait3A_167 = tpu.memref_slice %arg5[%mul3A_2, %dma_wait3A_166] : memref<10000x16xf32, #tpu.memory_space<hbm>> -> memref<632x16xf32, #tpu.memory_space<hbm>>
      tpu.wait_dma2 semaphore(%arg19 : memref<!tpu.dma_semaphore, #tpu.memory_space<semaphore_mem>>) src(%dma_wait3A_167 : memref<632x16xf32, #tpu.memory_space<hbm>>) dst(%arg11 : memref<632x16xf32, #tpu.memory_space<vmem>>)
    } else {
    }
    %eq3A_119 = arith.constant 15 : i32
    %eq3A_120 = arith.cmpi eq, %arg1, %eq3A_119 : i32
    %convert_element_type3A_121 = arith.extui %eq3A_120 : i1 to i32
    %cond3A_122 = arith.constant 0 : i32
    %cond3A_123 = arith.cmpi ne, %convert_element_type3A_121, %cond3A_122 : i32
    scf.if %cond3A_123 {
      %dma_wait3A_164 = arith.constant 0 : i32
      %dma_wait3A_165 = arith.constant 0 : i32
      %dma_wait3A_166 = tpu.memref_slice %arg11[%dma_wait3A_164, %dma_wait3A_165] : memref<632x16xf32, #tpu.memory_space<vmem>> -> memref<520x16xf32, #tpu.memory_space<vmem>>
      %dma_wait3A_167 = arith.constant 9480 : i32
      %dma_wait3A_168 = arith.constant 0 : i32
      %dma_wait3A_169 = tpu.memref_slice %arg5[%dma_wait3A_167, %dma_wait3A_168] : memref<10000x16xf32, #tpu.memory_space<hbm>> -> memref<520x16xf32, #tpu.memory_space<hbm>>
      %dma_wait3A_170 = arith.constant 0 : i32
      %dma_wait3A_171 = arith.constant 0 : i32
      %dma_wait3A_172 = tpu.memref_slice %arg11[%dma_wait3A_170, %dma_wait3A_171] : memref<632x16xf32, #tpu.memory_space<vmem>> -> memref<520x16xf32, #tpu.memory_space<vmem>>
      %dma_wait3A_173 = arith.constant 9480 : i32
      %dma_wait3A_174 = arith.constant 0 : i32
      %dma_wait3A_175 = tpu.memref_slice %arg5[%dma_wait3A_173, %dma_wait3A_174] : memref<10000x16xf32, #tpu.memory_space<hbm>> -> memref<520x16xf32, #tpu.memory_space<hbm>>
      tpu.wait_dma2 semaphore(%arg19 : memref<!tpu.dma_semaphore, #tpu.memory_space<semaphore_mem>>) src(%dma_wait3A_175 : memref<520x16xf32, #tpu.memory_space<hbm>>) dst(%dma_wait3A_172 : memref<520x16xf32, #tpu.memory_space<vmem>>)
    } else {
    }
    %broadcast_in_dim3A = arith.constant 0.000000e+00 : f32
    %broadcast_in_dim3A_124 = vector.broadcast %broadcast_in_dim3A : f32 to vector<16xf32>
    %while3A = arith.constant 0 : i32
    %while3A_125 = arith.constant 0 : i32
    %while3A_126 = arith.subi %select_n3A, %while3A_125 : i32
    %while3A_127 = arith.addi %while3A_125, %while3A_126 : i32
    %while3A_128 = arith.constant 1 : i32
    %while3A_129 = arith.divsi %while3A_126, %while3A_128 : i32
    %while3A_130 = arith.muli %while3A_129, %while3A_128 : i32
    %while3A_131 = arith.addi %while3A_125, %while3A_130 : i32
    %while3A_132 = arith.constant 1 : i32
    scf.for %while3A_164 = %while3A_125 to %while3A_131 step %while3A_132  : i32 {
      %get3A = arith.index_cast %while3A_164 : i32 to index
      %get3A_165 = arith.constant 0 : index
      %get3A_166 = tpu.vector_load %arg14[%get3A, %get3A_165] {strides = array<i32>} : memref<632x16xf32, #tpu.memory_space<vmem>>, vector<1x16xf32>,
      %get3A_167 = vector.shape_cast %get3A_166 : vector<1x16xf32> to vector<16xf32>
      %get3A_168 = arith.index_cast %while3A_164 : i32 to index
      %get3A_169 = arith.constant 0 : index
      %get3A_170 = tpu.vector_load %arg15[%get3A_168, %get3A_169] {strides = array<i32>} : memref<632x16xf32, #tpu.memory_space<vmem>>, vector<1x16xf32>,
      %get3A_171 = vector.shape_cast %get3A_170 : vector<1x16xf32> to vector<16xf32>
      %add3A_172 = arith.addf %get3A_167, %get3A_171 : vector<16xf32>
      %max3A = arith.constant 1.000000e+00 : f32
      %max3A_173 = vector.broadcast %max3A : f32 to vector<16xf32>
      %max3A_174 = arith.maximumf %add3A_172, %max3A_173 : vector<16xf32>
      %get3A_175 = arith.index_cast %while3A_164 : i32 to index
      %get3A_176 = arith.constant 0 : index
      %get3A_177 = tpu.vector_load %arg11[%get3A_175, %get3A_176] {strides = array<i32>} : memref<632x16xf32, #tpu.memory_space<vmem>>, vector<1x16xf32>,
      %get3A_178 = vector.shape_cast %get3A_177 : vector<1x16xf32> to vector<16xf32>
      %get3A_179 = arith.index_cast %while3A_164 : i32 to index
      %get3A_180 = arith.constant 0 : index
      %get3A_181 = tpu.vector_load %arg12[%get3A_179, %get3A_180] {strides = array<i32>} : memref<632x16xf32, #tpu.memory_space<vmem>>, vector<1x16xf32>,
      %get3A_182 = vector.shape_cast %get3A_181 : vector<1x16xf32> to vector<16xf32>
      %get3A_183 = arith.index_cast %while3A_164 : i32 to index
      %get3A_184 = arith.constant 0 : index
      %get3A_185 = tpu.vector_load %arg13[%get3A_183, %get3A_184] {strides = array<i32>} : memref<632x16xf32, #tpu.memory_space<vmem>>, vector<1x16xf32>,
      %get3A_186 = vector.shape_cast %get3A_185 : vector<1x16xf32> to vector<16xf32>
      %add3A_187 = arith.addf %get3A_182, %get3A_186 : vector<16xf32>
      %div3A = arith.divf %add3A_187, %max3A_174 : vector<16xf32>
      %add3A_188 = arith.addf %get3A_178, %div3A : vector<16xf32>
      %max3A_189 = arith.maximumf %add3A_188, %broadcast_in_dim3A_124 : vector<16xf32>
      %swap3A = arith.index_cast %while3A_164 : i32 to index
      %swap3A_190 = arith.constant 0 : index
      %swap3A_191 = tpu.vector_load %arg11[%swap3A, %swap3A_190] {strides = array<i32>} : memref<632x16xf32, #tpu.memory_space<vmem>>, vector<1x16xf32>,
      %swap3A_192 = vector.shape_cast %swap3A_191 : vector<1x16xf32> to vector<16xf32>
      %swap3A_193 = vector.shape_cast %max3A_189 : vector<16xf32> to vector<1x16xf32>
      tpu.vector_store %arg11[%swap3A, %swap3A_190], %swap3A_193 {strides = array<i32>} : memref<632x16xf32, #tpu.memory_space<vmem>>, vector<1x16xf32>,
    }
    %while3A_133 = arith.constant 1 : i32
    scf.for %while3A_164 = %while3A_131 to %while3A_127 step %while3A_133  : i32 {
      %get3A = arith.index_cast %while3A_164 : i32 to index
      %get3A_165 = arith.constant 0 : index
      %get3A_166 = tpu.vector_load %arg14[%get3A, %get3A_165] {strides = array<i32>} : memref<632x16xf32, #tpu.memory_space<vmem>>, vector<1x16xf32>,
      %get3A_167 = vector.shape_cast %get3A_166 : vector<1x16xf32> to vector<16xf32>
      %get3A_168 = arith.index_cast %while3A_164 : i32 to index
      %get3A_169 = arith.constant 0 : index
      %get3A_170 = tpu.vector_load %arg15[%get3A_168, %get3A_169] {strides = array<i32>} : memref<632x16xf32, #tpu.memory_space<vmem>>, vector<1x16xf32>,
      %get3A_171 = vector.shape_cast %get3A_170 : vector<1x16xf32> to vector<16xf32>
      %add3A_172 = arith.addf %get3A_167, %get3A_171 : vector<16xf32>
      %max3A = arith.constant 1.000000e+00 : f32
      %max3A_173 = vector.broadcast %max3A : f32 to vector<16xf32>
      %max3A_174 = arith.maximumf %add3A_172, %max3A_173 : vector<16xf32>
      %get3A_175 = arith.index_cast %while3A_164 : i32 to index
      %get3A_176 = arith.constant 0 : index
      %get3A_177 = tpu.vector_load %arg11[%get3A_175, %get3A_176] {strides = array<i32>} : memref<632x16xf32, #tpu.memory_space<vmem>>, vector<1x16xf32>,
      %get3A_178 = vector.shape_cast %get3A_177 : vector<1x16xf32> to vector<16xf32>
      %get3A_179 = arith.index_cast %while3A_164 : i32 to index
      %get3A_180 = arith.constant 0 : index
      %get3A_181 = tpu.vector_load %arg12[%get3A_179, %get3A_180] {strides = array<i32>} : memref<632x16xf32, #tpu.memory_space<vmem>>, vector<1x16xf32>,
      %get3A_182 = vector.shape_cast %get3A_181 : vector<1x16xf32> to vector<16xf32>
      %get3A_183 = arith.index_cast %while3A_164 : i32 to index
      %get3A_184 = arith.constant 0 : index
      %get3A_185 = tpu.vector_load %arg13[%get3A_183, %get3A_184] {strides = array<i32>} : memref<632x16xf32, #tpu.memory_space<vmem>>, vector<1x16xf32>,
      %get3A_186 = vector.shape_cast %get3A_185 : vector<1x16xf32> to vector<16xf32>
      %add3A_187 = arith.addf %get3A_182, %get3A_186 : vector<16xf32>
      %div3A = arith.divf %add3A_187, %max3A_174 : vector<16xf32>
      %add3A_188 = arith.addf %get3A_178, %div3A : vector<16xf32>
      %max3A_189 = arith.maximumf %add3A_188, %broadcast_in_dim3A_124 : vector<16xf32>
      %swap3A = arith.index_cast %while3A_164 : i32 to index
      %swap3A_190 = arith.constant 0 : index
      %swap3A_191 = tpu.vector_load %arg11[%swap3A, %swap3A_190] {strides = array<i32>} : memref<632x16xf32, #tpu.memory_space<vmem>>, vector<1x16xf32>,
      %swap3A_192 = vector.shape_cast %swap3A_191 : vector<1x16xf32> to vector<16xf32>
      %swap3A_193 = vector.shape_cast %max3A_189 : vector<16xf32> to vector<1x16xf32>
      tpu.vector_store %arg11[%swap3A, %swap3A_190], %swap3A_193 {strides = array<i32>} : memref<632x16xf32, #tpu.memory_space<vmem>>, vector<1x16xf32>,
    }
    %lt3A_134 = arith.constant 15 : i32
    %lt3A_135 = arith.cmpi slt, %arg1, %lt3A_134 : i32
    %convert_element_type3A_136 = arith.extui %lt3A_135 : i1 to i32
    %cond3A_137 = arith.constant 0 : i32
    %cond3A_138 = arith.cmpi ne, %convert_element_type3A_136, %cond3A_137 : i32
    scf.if %cond3A_138 {
      "tpu.region"() ({
        %run_scoped3A_164 = tpu.sem_alloc : memref<!tpu.dma_semaphore, #tpu.memory_space<semaphore_mem>>
        %dma_start3A_165 = arith.constant 0 : i32
        %dma_start3A_166 = tpu.memref_slice %arg17[%mul3A_2, %dma_start3A_165] : memref<10112x16xf32, #tpu.memory_space<vmem_shared>> -> memref<632x16xf32, #tpu.memory_space<vmem_shared>>
        %dma_start3A_167 = arith.constant 0 : i32
        %dma_start3A_168 = tpu.memref_slice %arg17[%mul3A_2, %dma_start3A_167] : memref<10112x16xf32, #tpu.memory_space<vmem_shared>> -> memref<632x16xf32, #tpu.memory_space<vmem_shared>>
        tpu.enqueue_dma source(%arg11 : memref<632x16xf32, #tpu.memory_space<vmem>>) target(%dma_start3A_168 : memref<632x16xf32, #tpu.memory_space<vmem_shared>>) target_semaphore(%run_scoped3A_164 : memref<!tpu.dma_semaphore, #tpu.memory_space<semaphore_mem>>)
        %dma_wait3A_169 = arith.constant 0 : i32
        %dma_wait3A_170 = tpu.memref_slice %arg17[%mul3A_2, %dma_wait3A_169] : memref<10112x16xf32, #tpu.memory_space<vmem_shared>> -> memref<632x16xf32, #tpu.memory_space<vmem_shared>>
        %dma_wait3A_171 = arith.constant 0 : i32
        %dma_wait3A_172 = tpu.memref_slice %arg17[%mul3A_2, %dma_wait3A_171] : memref<10112x16xf32, #tpu.memory_space<vmem_shared>> -> memref<632x16xf32, #tpu.memory_space<vmem_shared>>
        tpu.wait_dma2 semaphore(%run_scoped3A_164 : memref<!tpu.dma_semaphore, #tpu.memory_space<semaphore_mem>>) src(%arg11 : memref<632x16xf32, #tpu.memory_space<vmem>>) dst(%dma_wait3A_172 : memref<632x16xf32, #tpu.memory_space<vmem_shared>>)
        tpu.yield
      }) : () -> ()
    } else {
    }
    %eq3A_139 = arith.constant 15 : i32
    %eq3A_140 = arith.cmpi eq, %arg1, %eq3A_139 : i32
    %convert_element_type3A_141 = arith.extui %eq3A_140 : i1 to i32
    %cond3A_142 = arith.constant 0 : i32
    %cond3A_143 = arith.cmpi ne, %convert_element_type3A_141, %cond3A_142 : i32
    scf.if %cond3A_143 {
      "tpu.region"() ({
        %run_scoped3A_164 = tpu.sem_alloc : memref<!tpu.dma_semaphore, #tpu.memory_space<semaphore_mem>>
        %dma_start3A_165 = arith.constant 0 : i32
        %dma_start3A_166 = arith.constant 0 : i32
        %dma_start3A_167 = tpu.memref_slice %arg11[%dma_start3A_165, %dma_start3A_166] : memref<632x16xf32, #tpu.memory_space<vmem>> -> memref<520x16xf32, #tpu.memory_space<vmem>>
        %dma_start3A_168 = arith.constant 9480 : i32
        %dma_start3A_169 = arith.constant 0 : i32
        %dma_start3A_170 = tpu.memref_slice %arg17[%dma_start3A_168, %dma_start3A_169] : memref<10112x16xf32, #tpu.memory_space<vmem_shared>> -> memref<520x16xf32, #tpu.memory_space<vmem_shared>>
        %dma_start3A_171 = arith.constant 9480 : i32
        %dma_start3A_172 = arith.constant 0 : i32
        %dma_start3A_173 = tpu.memref_slice %arg17[%dma_start3A_171, %dma_start3A_172] : memref<10112x16xf32, #tpu.memory_space<vmem_shared>> -> memref<520x16xf32, #tpu.memory_space<vmem_shared>>
        %dma_start3A_174 = arith.constant 0 : i32
        %dma_start3A_175 = arith.constant 0 : i32
        %dma_start3A_176 = tpu.memref_slice %arg11[%dma_start3A_174, %dma_start3A_175] : memref<632x16xf32, #tpu.memory_space<vmem>> -> memref<520x16xf32, #tpu.memory_space<vmem>>
        tpu.enqueue_dma source(%dma_start3A_176 : memref<520x16xf32, #tpu.memory_space<vmem>>) target(%dma_start3A_173 : memref<520x16xf32, #tpu.memory_space<vmem_shared>>) target_semaphore(%run_scoped3A_164 : memref<!tpu.dma_semaphore, #tpu.memory_space<semaphore_mem>>)
        %dma_wait3A_177 = arith.constant 0 : i32
        %dma_wait3A_178 = arith.constant 0 : i32
        %dma_wait3A_179 = tpu.memref_slice %arg11[%dma_wait3A_177, %dma_wait3A_178] : memref<632x16xf32, #tpu.memory_space<vmem>> -> memref<520x16xf32, #tpu.memory_space<vmem>>
        %dma_wait3A_180 = arith.constant 9480 : i32
        %dma_wait3A_181 = arith.constant 0 : i32
        %dma_wait3A_182 = tpu.memref_slice %arg17[%dma_wait3A_180, %dma_wait3A_181] : memref<10112x16xf32, #tpu.memory_space<vmem_shared>> -> memref<520x16xf32, #tpu.memory_space<vmem_shared>>
        %dma_wait3A_183 = arith.constant 9480 : i32
        %dma_wait3A_184 = arith.constant 0 : i32
        %dma_wait3A_185 = tpu.memref_slice %arg17[%dma_wait3A_183, %dma_wait3A_184] : memref<10112x16xf32, #tpu.memory_space<vmem_shared>> -> memref<520x16xf32, #tpu.memory_space<vmem_shared>>
        %dma_wait3A_186 = arith.constant 0 : i32
        %dma_wait3A_187 = arith.constant 0 : i32
        %dma_wait3A_188 = tpu.memref_slice %arg11[%dma_wait3A_186, %dma_wait3A_187] : memref<632x16xf32, #tpu.memory_space<vmem>> -> memref<520x16xf32, #tpu.memory_space<vmem>>
        tpu.wait_dma2 semaphore(%run_scoped3A_164 : memref<!tpu.dma_semaphore, #tpu.memory_space<semaphore_mem>>) src(%dma_wait3A_188 : memref<520x16xf32, #tpu.memory_space<vmem>>) dst(%dma_wait3A_185 : memref<520x16xf32, #tpu.memory_space<vmem_shared>>)
        tpu.yield
      }) : () -> ()
    } else {
    }
    %scan3A = arith.constant 0 : i32
    %scan3A_144 = arith.constant 0 : i32
    %scan3A_145 = arith.constant 632 : i32
    %scan3A_146 = arith.addi %scan3A_144, %scan3A_145 : i32
    %scan3A_147 = arith.constant 1 : i32
    scf.for %scan3A_164 = %scan3A_144 to %scan3A_146 step %scan3A_147  : i32 {
      %swap3A = arith.index_cast %scan3A_164 : i32 to index
      %swap3A_165 = arith.constant 0 : index
      %swap3A_166 = tpu.vector_load %arg12[%swap3A, %swap3A_165] {strides = array<i32>} : memref<632x16xf32, #tpu.memory_space<vmem>>, vector<1x16xf32>,
      %swap3A_167 = vector.shape_cast %swap3A_166 : vector<1x16xf32> to vector<16xf32>
      %swap3A_168 = vector.shape_cast %broadcast_in_dim3A_124 : vector<16xf32> to vector<1x16xf32>
      tpu.vector_store %arg12[%swap3A, %swap3A_165], %swap3A_168 {strides = array<i32>} : memref<632x16xf32, #tpu.memory_space<vmem>>, vector<1x16xf32>,
    }
    %scan3A_148 = arith.constant 632 : i32
    "tpu.region"() ({
      %run_scoped3A_164 = tpu.sem_alloc : memref<!tpu.dma_semaphore, #tpu.memory_space<semaphore_mem>>
      %dma_start3A_165 = arith.constant 0 : i32
      %dma_start3A_166 = tpu.memref_slice %arg16[%mul3A_2, %dma_start3A_165] : memref<10112x16xf32, #tpu.memory_space<vmem_shared>> -> memref<632x16xf32, #tpu.memory_space<vmem_shared>>
      %dma_start3A_167 = arith.constant 0 : i32
      %dma_start3A_168 = tpu.memref_slice %arg16[%mul3A_2, %dma_start3A_167] : memref<10112x16xf32, #tpu.memory_space<vmem_shared>> -> memref<632x16xf32, #tpu.memory_space<vmem_shared>>
      tpu.enqueue_dma source(%arg12 : memref<632x16xf32, #tpu.memory_space<vmem>>) target(%dma_start3A_168 : memref<632x16xf32, #tpu.memory_space<vmem_shared>>) target_semaphore(%run_scoped3A_164 : memref<!tpu.dma_semaphore, #tpu.memory_space<semaphore_mem>>)
      %dma_wait3A_169 = arith.constant 0 : i32
      %dma_wait3A_170 = tpu.memref_slice %arg16[%mul3A_2, %dma_wait3A_169] : memref<10112x16xf32, #tpu.memory_space<vmem_shared>> -> memref<632x16xf32, #tpu.memory_space<vmem_shared>>
      %dma_wait3A_171 = arith.constant 0 : i32
      %dma_wait3A_172 = tpu.memref_slice %arg16[%mul3A_2, %dma_wait3A_171] : memref<10112x16xf32, #tpu.memory_space<vmem_shared>> -> memref<632x16xf32, #tpu.memory_space<vmem_shared>>
      tpu.wait_dma2 semaphore(%run_scoped3A_164 : memref<!tpu.dma_semaphore, #tpu.memory_space<semaphore_mem>>) src(%arg12 : memref<632x16xf32, #tpu.memory_space<vmem>>) dst(%dma_wait3A_172 : memref<632x16xf32, #tpu.memory_space<vmem_shared>>)
      tpu.yield
    }) : () -> ()
    %run_scoped3A = arith.constant 0 : i32
    "tpu.region"() ({
      %run_scoped3A_164 = tpu.sem_alloc : memref<!tpu.dma_semaphore, #tpu.memory_space<semaphore_mem>>
      %dma_start3A_165 = arith.constant 0 : i32
      %dma_start3A_166 = arith.constant 0 : i32
      %dma_start3A_167 = arith.constant 0 : i32
      %dma_start3A_168 = tpu.memref_slice %arg2[%run_scoped3A, %dma_start3A_165, %dma_start3A_166, %dma_start3A_167] : memref<2x32x10x1024xi32, #tpu.memory_space<hbm>> -> memref<1x32x10x1024xi32, #tpu.memory_space<hbm>>
      %dma_start3A_169 = tpu.memref_squeeze %dma_start3A_168 : memref<1x32x10x1024xi32, #tpu.memory_space<hbm>> -> memref<32x10x1024xi32, #tpu.memory_space<hbm>>
      %dma_start3A_170 = arith.constant 0 : i32
      %dma_start3A_171 = arith.constant 0 : i32
      %dma_start3A_172 = tpu.memref_slice %dma_start3A_169[%add3A, %dma_start3A_170, %dma_start3A_171] : memref<32x10x1024xi32, #tpu.memory_space<hbm>> -> memref<1x10x1024xi32, #tpu.memory_space<hbm>>
      %dma_start3A_173 = tpu.memref_squeeze %dma_start3A_172 : memref<1x10x1024xi32, #tpu.memory_space<hbm>> -> memref<10x1024xi32, #tpu.memory_space<hbm>>
      %dma_start3A_174 = arith.constant 0 : i32
      %dma_start3A_175 = arith.constant 0 : i32
      %dma_start3A_176 = arith.constant 0 : i32
      %dma_start3A_177 = tpu.memref_slice %arg2[%run_scoped3A, %dma_start3A_174, %dma_start3A_175, %dma_start3A_176] : memref<2x32x10x1024xi32, #tpu.memory_space<hbm>> -> memref<1x32x10x1024xi32, #tpu.memory_space<hbm>>
      %dma_start3A_178 = tpu.memref_squeeze %dma_start3A_177 : memref<1x32x10x1024xi32, #tpu.memory_space<hbm>> -> memref<32x10x1024xi32, #tpu.memory_space<hbm>>
      %dma_start3A_179 = arith.constant 0 : i32
      %dma_start3A_180 = arith.constant 0 : i32
      %dma_start3A_181 = tpu.memref_slice %dma_start3A_178[%add3A, %dma_start3A_179, %dma_start3A_180] : memref<32x10x1024xi32, #tpu.memory_space<hbm>> -> memref<1x10x1024xi32, #tpu.memory_space<hbm>>
      %dma_start3A_182 = tpu.memref_squeeze %dma_start3A_181 : memref<1x10x1024xi32, #tpu.memory_space<hbm>> -> memref<10x1024xi32, #tpu.memory_space<hbm>>
      tpu.enqueue_dma source(%dma_start3A_182 : memref<10x1024xi32, #tpu.memory_space<hbm>>) target(%arg7 : memref<10x1024xi32, #tpu.memory_space<vmem>>) target_semaphore(%run_scoped3A_164 : memref<!tpu.dma_semaphore, #tpu.memory_space<semaphore_mem>>)
      %dma_wait3A_183 = arith.constant 0 : i32
      %dma_wait3A_184 = arith.constant 0 : i32
      %dma_wait3A_185 = arith.constant 0 : i32
      %dma_wait3A_186 = tpu.memref_slice %arg2[%run_scoped3A, %dma_wait3A_183, %dma_wait3A_184, %dma_wait3A_185] : memref<2x32x10x1024xi32, #tpu.memory_space<hbm>> -> memref<1x32x10x1024xi32, #tpu.memory_space<hbm>>
      %dma_wait3A_187 = tpu.memref_squeeze %dma_wait3A_186 : memref<1x32x10x1024xi32, #tpu.memory_space<hbm>> -> memref<32x10x1024xi32, #tpu.memory_space<hbm>>
      %dma_wait3A_188 = arith.constant 0 : i32
      %dma_wait3A_189 = arith.constant 0 : i32
      %dma_wait3A_190 = tpu.memref_slice %dma_wait3A_187[%add3A, %dma_wait3A_188, %dma_wait3A_189] : memref<32x10x1024xi32, #tpu.memory_space<hbm>> -> memref<1x10x1024xi32, #tpu.memory_space<hbm>>
      %dma_wait3A_191 = tpu.memref_squeeze %dma_wait3A_190 : memref<1x10x1024xi32, #tpu.memory_space<hbm>> -> memref<10x1024xi32, #tpu.memory_space<hbm>>
      %dma_wait3A_192 = arith.constant 0 : i32
      %dma_wait3A_193 = arith.constant 0 : i32
      %dma_wait3A_194 = arith.constant 0 : i32
      %dma_wait3A_195 = tpu.memref_slice %arg2[%run_scoped3A, %dma_wait3A_192, %dma_wait3A_193, %dma_wait3A_194] : memref<2x32x10x1024xi32, #tpu.memory_space<hbm>> -> memref<1x32x10x1024xi32, #tpu.memory_space<hbm>>
      %dma_wait3A_196 = tpu.memref_squeeze %dma_wait3A_195 : memref<1x32x10x1024xi32, #tpu.memory_space<hbm>> -> memref<32x10x1024xi32, #tpu.memory_space<hbm>>
      %dma_wait3A_197 = arith.constant 0 : i32
      %dma_wait3A_198 = arith.constant 0 : i32
      %dma_wait3A_199 = tpu.memref_slice %dma_wait3A_196[%add3A, %dma_wait3A_197, %dma_wait3A_198] : memref<32x10x1024xi32, #tpu.memory_space<hbm>> -> memref<1x10x1024xi32, #tpu.memory_space<hbm>>
      %dma_wait3A_200 = tpu.memref_squeeze %dma_wait3A_199 : memref<1x10x1024xi32, #tpu.memory_space<hbm>> -> memref<10x1024xi32, #tpu.memory_space<hbm>>
      tpu.wait_dma2 semaphore(%run_scoped3A_164 : memref<!tpu.dma_semaphore, #tpu.memory_space<semaphore_mem>>) src(%dma_wait3A_200 : memref<10x1024xi32, #tpu.memory_space<hbm>>) dst(%arg7 : memref<10x1024xi32, #tpu.memory_space<vmem>>)
      tpu.yield
    }) : () -> ()
    %run_scoped3A_149 = arith.constant 1 : i32
    "tpu.region"() ({
      %run_scoped3A_164 = tpu.sem_alloc : memref<!tpu.dma_semaphore, #tpu.memory_space<semaphore_mem>>
      %dma_start3A_165 = arith.constant 0 : i32
      %dma_start3A_166 = arith.constant 0 : i32
      %dma_start3A_167 = arith.constant 0 : i32
      %dma_start3A_168 = tpu.memref_slice %arg2[%run_scoped3A_149, %dma_start3A_165, %dma_start3A_166, %dma_start3A_167] : memref<2x32x10x1024xi32, #tpu.memory_space<hbm>> -> memref<1x32x10x1024xi32, #tpu.memory_space<hbm>>
      %dma_start3A_169 = tpu.memref_squeeze %dma_start3A_168 : memref<1x32x10x1024xi32, #tpu.memory_space<hbm>> -> memref<32x10x1024xi32, #tpu.memory_space<hbm>>
      %dma_start3A_170 = arith.constant 0 : i32
      %dma_start3A_171 = arith.constant 0 : i32
      %dma_start3A_172 = tpu.memref_slice %dma_start3A_169[%add3A, %dma_start3A_170, %dma_start3A_171] : memref<32x10x1024xi32, #tpu.memory_space<hbm>> -> memref<1x10x1024xi32, #tpu.memory_space<hbm>>
      %dma_start3A_173 = tpu.memref_squeeze %dma_start3A_172 : memref<1x10x1024xi32, #tpu.memory_space<hbm>> -> memref<10x1024xi32, #tpu.memory_space<hbm>>
      %dma_start3A_174 = arith.constant 0 : i32
      %dma_start3A_175 = arith.constant 0 : i32
      %dma_start3A_176 = arith.constant 0 : i32
      %dma_start3A_177 = tpu.memref_slice %arg2[%run_scoped3A_149, %dma_start3A_174, %dma_start3A_175, %dma_start3A_176] : memref<2x32x10x1024xi32, #tpu.memory_space<hbm>> -> memref<1x32x10x1024xi32, #tpu.memory_space<hbm>>
      %dma_start3A_178 = tpu.memref_squeeze %dma_start3A_177 : memref<1x32x10x1024xi32, #tpu.memory_space<hbm>> -> memref<32x10x1024xi32, #tpu.memory_space<hbm>>
      %dma_start3A_179 = arith.constant 0 : i32
      %dma_start3A_180 = arith.constant 0 : i32
      %dma_start3A_181 = tpu.memref_slice %dma_start3A_178[%add3A, %dma_start3A_179, %dma_start3A_180] : memref<32x10x1024xi32, #tpu.memory_space<hbm>> -> memref<1x10x1024xi32, #tpu.memory_space<hbm>>
      %dma_start3A_182 = tpu.memref_squeeze %dma_start3A_181 : memref<1x10x1024xi32, #tpu.memory_space<hbm>> -> memref<10x1024xi32, #tpu.memory_space<hbm>>
      tpu.enqueue_dma source(%dma_start3A_182 : memref<10x1024xi32, #tpu.memory_space<hbm>>) target(%arg8 : memref<10x1024xi32, #tpu.memory_space<vmem>>) target_semaphore(%run_scoped3A_164 : memref<!tpu.dma_semaphore, #tpu.memory_space<semaphore_mem>>)
      %dma_wait3A_183 = arith.constant 0 : i32
      %dma_wait3A_184 = arith.constant 0 : i32
      %dma_wait3A_185 = arith.constant 0 : i32
      %dma_wait3A_186 = tpu.memref_slice %arg2[%run_scoped3A_149, %dma_wait3A_183, %dma_wait3A_184, %dma_wait3A_185] : memref<2x32x10x1024xi32, #tpu.memory_space<hbm>> -> memref<1x32x10x1024xi32, #tpu.memory_space<hbm>>
      %dma_wait3A_187 = tpu.memref_squeeze %dma_wait3A_186 : memref<1x32x10x1024xi32, #tpu.memory_space<hbm>> -> memref<32x10x1024xi32, #tpu.memory_space<hbm>>
      %dma_wait3A_188 = arith.constant 0 : i32
      %dma_wait3A_189 = arith.constant 0 : i32
      %dma_wait3A_190 = tpu.memref_slice %dma_wait3A_187[%add3A, %dma_wait3A_188, %dma_wait3A_189] : memref<32x10x1024xi32, #tpu.memory_space<hbm>> -> memref<1x10x1024xi32, #tpu.memory_space<hbm>>
      %dma_wait3A_191 = tpu.memref_squeeze %dma_wait3A_190 : memref<1x10x1024xi32, #tpu.memory_space<hbm>> -> memref<10x1024xi32, #tpu.memory_space<hbm>>
      %dma_wait3A_192 = arith.constant 0 : i32
      %dma_wait3A_193 = arith.constant 0 : i32
      %dma_wait3A_194 = arith.constant 0 : i32
      %dma_wait3A_195 = tpu.memref_slice %arg2[%run_scoped3A_149, %dma_wait3A_192, %dma_wait3A_193, %dma_wait3A_194] : memref<2x32x10x1024xi32, #tpu.memory_space<hbm>> -> memref<1x32x10x1024xi32, #tpu.memory_space<hbm>>
      %dma_wait3A_196 = tpu.memref_squeeze %dma_wait3A_195 : memref<1x32x10x1024xi32, #tpu.memory_space<hbm>> -> memref<32x10x1024xi32, #tpu.memory_space<hbm>>
      %dma_wait3A_197 = arith.constant 0 : i32
      %dma_wait3A_198 = arith.constant 0 : i32
      %dma_wait3A_199 = tpu.memref_slice %dma_wait3A_196[%add3A, %dma_wait3A_197, %dma_wait3A_198] : memref<32x10x1024xi32, #tpu.memory_space<hbm>> -> memref<1x10x1024xi32, #tpu.memory_space<hbm>>
      %dma_wait3A_200 = tpu.memref_squeeze %dma_wait3A_199 : memref<1x10x1024xi32, #tpu.memory_space<hbm>> -> memref<10x1024xi32, #tpu.memory_space<hbm>>
      tpu.wait_dma2 semaphore(%run_scoped3A_164 : memref<!tpu.dma_semaphore, #tpu.memory_space<semaphore_mem>>) src(%dma_wait3A_200 : memref<10x1024xi32, #tpu.memory_space<hbm>>) dst(%arg8 : memref<10x1024xi32, #tpu.memory_space<vmem>>)
      tpu.yield
    }) : () -> ()
    %barrier3A = arith.constant 0 : index
    tpu.barrier barrier_id(%barrier3A)
    %dma_start3A_150 = arith.constant 0 : i32
    %dma_start3A_151 = arith.constant 0 : i32
    %dma_start3A_152 = tpu.memref_slice %arg7[%dma_start3A_150, %dma_start3A_151] : memref<10x1024xi32, #tpu.memory_space<vmem>> -> memref<1x1024xi32, #tpu.memory_space<vmem>>
    %dma_start3A_153 = tpu.memref_squeeze %dma_start3A_152 : memref<1x1024xi32, #tpu.memory_space<vmem>> -> memref<1024xi32, #tpu.memory_space<vmem>>
    %dma_start3A_154 = arith.constant 0 : i32
    %dma_start3A_155 = arith.constant 0 : i32
    %dma_start3A_156 = tpu.memref_slice %arg17[%dma_start3A_154, %dma_start3A_155] : memref<10112x16xf32, #tpu.memory_space<vmem_shared>> -> memref<10112x16xf32, #tpu.memory_space<vmem_shared>>
    tpu.enqueue_indirect_dma source(%dma_start3A_156 : memref<10112x16xf32, #tpu.memory_space<vmem_shared>>) target(%arg9 : memref<1024x16xf32, #tpu.memory_space<vmem>>) offsets(%dma_start3A_153 : memref<1024xi32, #tpu.memory_space<vmem>>) semaphore(%arg18 : memref<!tpu.dma_semaphore, #tpu.memory_space<semaphore_mem>>)
    %scan3A_157 = arith.constant 0 : i32
    %scan3A_158 = arith.constant 0 : i32
    %scan3A_159 = arith.constant 5 : i32
    %scan3A_160 = arith.addi %scan3A_158, %scan3A_159 : i32
    %scan3A_161 = arith.constant 1 : i32
    scf.for %scan3A_164 = %scan3A_158 to %scan3A_160 step %scan3A_161  : i32 {
      %mul3A_165 = arith.constant 2 : i32
      %mul3A_166 = arith.muli %mul3A_165, %scan3A_164 : i32
      %add3A_167 = arith.constant 1 : i32
      %add3A_168 = arith.addi %mul3A_166, %add3A_167 : i32
      %add3A_169 = arith.constant 2 : i32
      %add3A_170 = arith.addi %mul3A_166, %add3A_169 : i32
      %dma_wait3A_171 = arith.constant 0 : i32
      %dma_wait3A_172 = tpu.memref_slice %arg7[%mul3A_166, %dma_wait3A_171] : memref<10x1024xi32, #tpu.memory_space<vmem>> -> memref<1x1024xi32, #tpu.memory_space<vmem>>
      %dma_wait3A_173 = tpu.memref_squeeze %dma_wait3A_172 : memref<1x1024xi32, #tpu.memory_space<vmem>> -> memref<1024xi32, #tpu.memory_space<vmem>>
      %dma_wait3A_174 = arith.constant 0 : i32
      %dma_wait3A_175 = arith.constant 0 : i32
      %dma_wait3A_176 = tpu.memref_slice %arg17[%dma_wait3A_174, %dma_wait3A_175] : memref<10112x16xf32, #tpu.memory_space<vmem_shared>> -> memref<10112x16xf32, #tpu.memory_space<vmem_shared>>
      tpu.wait_indirect_dma semaphore(%arg18 : memref<!tpu.dma_semaphore, #tpu.memory_space<semaphore_mem>>) src(%dma_wait3A_176 : memref<10112x16xf32, #tpu.memory_space<vmem_shared>>) dst(%arg9 : memref<1024x16xf32, #tpu.memory_space<vmem>>)
      %dma_start3A_177 = arith.constant 0 : i32
      %dma_start3A_178 = tpu.memref_slice %arg7[%add3A_168, %dma_start3A_177] : memref<10x1024xi32, #tpu.memory_space<vmem>> -> memref<1x1024xi32, #tpu.memory_space<vmem>>
      %dma_start3A_179 = tpu.memref_squeeze %dma_start3A_178 : memref<1x1024xi32, #tpu.memory_space<vmem>> -> memref<1024xi32, #tpu.memory_space<vmem>>
      %dma_start3A_180 = arith.constant 0 : i32
      %dma_start3A_181 = arith.constant 0 : i32
      %dma_start3A_182 = tpu.memref_slice %arg17[%dma_start3A_180, %dma_start3A_181] : memref<10112x16xf32, #tpu.memory_space<vmem_shared>> -> memref<10112x16xf32, #tpu.memory_space<vmem_shared>>
      tpu.enqueue_indirect_dma source(%dma_start3A_182 : memref<10112x16xf32, #tpu.memory_space<vmem_shared>>) target(%arg10 : memref<1024x16xf32, #tpu.memory_space<vmem>>) offsets(%dma_start3A_179 : memref<1024xi32, #tpu.memory_space<vmem>>) semaphore(%arg19 : memref<!tpu.dma_semaphore, #tpu.memory_space<semaphore_mem>>)
      "tpu.region"() ({
        %run_scoped3A_194 = tpu.sem_alloc : memref<!tpu.dma_semaphore, #tpu.memory_space<semaphore_mem>>
        %dma_start3A_195 = arith.constant 0 : i32
        %dma_start3A_196 = tpu.memref_slice %arg8[%mul3A_166, %dma_start3A_195] : memref<10x1024xi32, #tpu.memory_space<vmem>> -> memref<1x1024xi32, #tpu.memory_space<vmem>>
        %dma_start3A_197 = tpu.memref_squeeze %dma_start3A_196 : memref<1x1024xi32, #tpu.memory_space<vmem>> -> memref<1024xi32, #tpu.memory_space<vmem>>
        %dma_start3A_198 = arith.constant 0 : i32
        %dma_start3A_199 = arith.constant 0 : i32
        %dma_start3A_200 = tpu.memref_slice %arg16[%dma_start3A_198, %dma_start3A_199] : memref<10112x16xf32, #tpu.memory_space<vmem_shared>> -> memref<10112x16xf32, #tpu.memory_space<vmem_shared>>
        tpu.enqueue_indirect_dma source(%arg9 : memref<1024x16xf32, #tpu.memory_space<vmem>>) target(%dma_start3A_200 : memref<10112x16xf32, #tpu.memory_space<vmem_shared>>) offsets(%dma_start3A_197 : memref<1024xi32, #tpu.memory_space<vmem>>) semaphore(%run_scoped3A_194 : memref<!tpu.dma_semaphore, #tpu.memory_space<semaphore_mem>>) {add = true}
        %dma_wait3A_201 = arith.constant 0 : i32
        %dma_wait3A_202 = tpu.memref_slice %arg8[%mul3A_166, %dma_wait3A_201] : memref<10x1024xi32, #tpu.memory_space<vmem>> -> memref<1x1024xi32, #tpu.memory_space<vmem>>
        %dma_wait3A_203 = tpu.memref_squeeze %dma_wait3A_202 : memref<1x1024xi32, #tpu.memory_space<vmem>> -> memref<1024xi32, #tpu.memory_space<vmem>>
        %dma_wait3A_204 = arith.constant 0 : i32
        %dma_wait3A_205 = arith.constant 0 : i32
        %dma_wait3A_206 = tpu.memref_slice %arg16[%dma_wait3A_204, %dma_wait3A_205] : memref<10112x16xf32, #tpu.memory_space<vmem_shared>> -> memref<10112x16xf32, #tpu.memory_space<vmem_shared>>
        tpu.wait_indirect_dma semaphore(%run_scoped3A_194 : memref<!tpu.dma_semaphore, #tpu.memory_space<semaphore_mem>>) src(%arg9 : memref<1024x16xf32, #tpu.memory_space<vmem>>) dst(%dma_wait3A_206 : memref<10112x16xf32, #tpu.memory_space<vmem_shared>>)
        tpu.yield
      }) : () -> ()
      %dma_wait3A_183 = arith.constant 0 : i32
      %dma_wait3A_184 = tpu.memref_slice %arg7[%add3A_168, %dma_wait3A_183] : memref<10x1024xi32, #tpu.memory_space<vmem>> -> memref<1x1024xi32, #tpu.memory_space<vmem>>
      %dma_wait3A_185 = tpu.memref_squeeze %dma_wait3A_184 : memref<1x1024xi32, #tpu.memory_space<vmem>> -> memref<1024xi32, #tpu.memory_space<vmem>>
      %dma_wait3A_186 = arith.constant 0 : i32
      %dma_wait3A_187 = arith.constant 0 : i32
      %dma_wait3A_188 = tpu.memref_slice %arg17[%dma_wait3A_186, %dma_wait3A_187] : memref<10112x16xf32, #tpu.memory_space<vmem_shared>> -> memref<10112x16xf32, #tpu.memory_space<vmem_shared>>
      tpu.wait_indirect_dma semaphore(%arg19 : memref<!tpu.dma_semaphore, #tpu.memory_space<semaphore_mem>>) src(%dma_wait3A_188 : memref<10112x16xf32, #tpu.memory_space<vmem_shared>>) dst(%arg10 : memref<1024x16xf32, #tpu.memory_space<vmem>>)
      %lt3A_189 = arith.constant 10 : i32
      %lt3A_190 = arith.cmpi slt, %add3A_170, %lt3A_189 : i32
      %convert_element_type3A_191 = arith.extui %lt3A_190 : i1 to i32
      %cond3A_192 = arith.constant 0 : i32
      %cond3A_193 = arith.cmpi ne, %convert_element_type3A_191, %cond3A_192 : i32
      scf.if %cond3A_193 {
        %dma_start3A_194 = arith.constant 0 : i32
        %dma_start3A_195 = tpu.memref_slice %arg7[%add3A_170, %dma_start3A_194] : memref<10x1024xi32, #tpu.memory_space<vmem>> -> memref<1x1024xi32, #tpu.memory_space<vmem>>
        %dma_start3A_196 = tpu.memref_squeeze %dma_start3A_195 : memref<1x1024xi32, #tpu.memory_space<vmem>> -> memref<1024xi32, #tpu.memory_space<vmem>>
        %dma_start3A_197 = arith.constant 0 : i32
        %dma_start3A_198 = arith.constant 0 : i32
        %dma_start3A_199 = tpu.memref_slice %arg17[%dma_start3A_197, %dma_start3A_198] : memref<10112x16xf32, #tpu.memory_space<vmem_shared>> -> memref<10112x16xf32, #tpu.memory_space<vmem_shared>>
        tpu.enqueue_indirect_dma source(%dma_start3A_199 : memref<10112x16xf32, #tpu.memory_space<vmem_shared>>) target(%arg9 : memref<1024x16xf32, #tpu.memory_space<vmem>>) offsets(%dma_start3A_196 : memref<1024xi32, #tpu.memory_space<vmem>>) semaphore(%arg18 : memref<!tpu.dma_semaphore, #tpu.memory_space<semaphore_mem>>)
      } else {
      }
      "tpu.region"() ({
        %run_scoped3A_194 = tpu.sem_alloc : memref<!tpu.dma_semaphore, #tpu.memory_space<semaphore_mem>>
        %dma_start3A_195 = arith.constant 0 : i32
        %dma_start3A_196 = tpu.memref_slice %arg8[%add3A_168, %dma_start3A_195] : memref<10x1024xi32, #tpu.memory_space<vmem>> -> memref<1x1024xi32, #tpu.memory_space<vmem>>
        %dma_start3A_197 = tpu.memref_squeeze %dma_start3A_196 : memref<1x1024xi32, #tpu.memory_space<vmem>> -> memref<1024xi32, #tpu.memory_space<vmem>>
        %dma_start3A_198 = arith.constant 0 : i32
        %dma_start3A_199 = arith.constant 0 : i32
        %dma_start3A_200 = tpu.memref_slice %arg16[%dma_start3A_198, %dma_start3A_199] : memref<10112x16xf32, #tpu.memory_space<vmem_shared>> -> memref<10112x16xf32, #tpu.memory_space<vmem_shared>>
        tpu.enqueue_indirect_dma source(%arg10 : memref<1024x16xf32, #tpu.memory_space<vmem>>) target(%dma_start3A_200 : memref<10112x16xf32, #tpu.memory_space<vmem_shared>>) offsets(%dma_start3A_197 : memref<1024xi32, #tpu.memory_space<vmem>>) semaphore(%run_scoped3A_194 : memref<!tpu.dma_semaphore, #tpu.memory_space<semaphore_mem>>) {add = true}
        %dma_wait3A_201 = arith.constant 0 : i32
        %dma_wait3A_202 = tpu.memref_slice %arg8[%add3A_168, %dma_wait3A_201] : memref<10x1024xi32, #tpu.memory_space<vmem>> -> memref<1x1024xi32, #tpu.memory_space<vmem>>
        %dma_wait3A_203 = tpu.memref_squeeze %dma_wait3A_202 : memref<1x1024xi32, #tpu.memory_space<vmem>> -> memref<1024xi32, #tpu.memory_space<vmem>>
        %dma_wait3A_204 = arith.constant 0 : i32
        %dma_wait3A_205 = arith.constant 0 : i32
        %dma_wait3A_206 = tpu.memref_slice %arg16[%dma_wait3A_204, %dma_wait3A_205] : memref<10112x16xf32, #tpu.memory_space<vmem_shared>> -> memref<10112x16xf32, #tpu.memory_space<vmem_shared>>
        tpu.wait_indirect_dma semaphore(%run_scoped3A_194 : memref<!tpu.dma_semaphore, #tpu.memory_space<semaphore_mem>>) src(%arg10 : memref<1024x16xf32, #tpu.memory_space<vmem>>) dst(%dma_wait3A_206 : memref<10112x16xf32, #tpu.memory_space<vmem_shared>>)
        tpu.yield
      }) : () -> ()
    }
    %scan3A_162 = arith.constant 5 : i32
    %barrier3A_163 = arith.constant 0 : index
    tpu.barrier barrier_id(%barrier3A_163)
    "tpu.region"() ({
      %run_scoped3A_164 = tpu.sem_alloc : memref<!tpu.dma_semaphore, #tpu.memory_space<semaphore_mem>>
      %dma_start3A_165 = arith.constant 0 : i32
      %dma_start3A_166 = tpu.memref_slice %arg16[%mul3A_2, %dma_start3A_165] : memref<10112x16xf32, #tpu.memory_space<vmem_shared>> -> memref<632x16xf32, #tpu.memory_space<vmem_shared>>
      %dma_start3A_167 = arith.constant 0 : i32
      %dma_start3A_168 = tpu.memref_slice %arg16[%mul3A_2, %dma_start3A_167] : memref<10112x16xf32, #tpu.memory_space<vmem_shared>> -> memref<632x16xf32, #tpu.memory_space<vmem_shared>>
      tpu.enqueue_dma source(%dma_start3A_168 : memref<632x16xf32, #tpu.memory_space<vmem_shared>>) target(%arg12 : memref<632x16xf32, #tpu.memory_space<vmem>>) target_semaphore(%run_scoped3A_164 : memref<!tpu.dma_semaphore, #tpu.memory_space<semaphore_mem>>)
      %dma_wait3A_169 = arith.constant 0 : i32
      %dma_wait3A_170 = tpu.memref_slice %arg16[%mul3A_2, %dma_wait3A_169] : memref<10112x16xf32, #tpu.memory_space<vmem_shared>> -> memref<632x16xf32, #tpu.memory_space<vmem_shared>>
      %dma_wait3A_171 = arith.constant 0 : i32
      %dma_wait3A_172 = tpu.memref_slice %arg16[%mul3A_2, %dma_wait3A_171] : memref<10112x16xf32, #tpu.memory_space<vmem_shared>> -> memref<632x16xf32, #tpu.memory_space<vmem_shared>>
      tpu.wait_dma2 semaphore(%run_scoped3A_164 : memref<!tpu.dma_semaphore, #tpu.memory_space<semaphore_mem>>) src(%dma_wait3A_172 : memref<632x16xf32, #tpu.memory_space<vmem_shared>>) dst(%arg12 : memref<632x16xf32, #tpu.memory_space<vmem>>)
      tpu.yield
    }) : () -> ()
    "tpu.region"() ({
      %run_scoped3A_164 = tpu.sem_alloc : memref<!tpu.dma_semaphore, #tpu.memory_space<semaphore_mem>>
      %dma_start3A_165 = arith.constant 0 : i32
      %dma_start3A_166 = arith.constant 0 : i32
      %dma_start3A_167 = tpu.memref_slice %arg6[%arg0, %dma_start3A_165, %dma_start3A_166] : memref<2x10112x16xf32, #tpu.memory_space<hbm>> -> memref<1x10112x16xf32, #tpu.memory_space<hbm>>
      %dma_start3A_168 = tpu.memref_squeeze %dma_start3A_167 : memref<1x10112x16xf32, #tpu.memory_space<hbm>> -> memref<10112x16xf32, #tpu.memory_space<hbm>>
      %dma_start3A_169 = arith.constant 0 : i32
      %dma_start3A_170 = tpu.memref_slice %dma_start3A_168[%mul3A_2, %dma_start3A_169] : memref<10112x16xf32, #tpu.memory_space<hbm>> -> memref<632x16xf32, #tpu.memory_space<hbm>>
      %dma_start3A_171 = arith.constant 0 : i32
      %dma_start3A_172 = arith.constant 0 : i32
      %dma_start3A_173 = tpu.memref_slice %arg6[%arg0, %dma_start3A_171, %dma_start3A_172] : memref<2x10112x16xf32, #tpu.memory_space<hbm>> -> memref<1x10112x16xf32, #tpu.memory_space<hbm>>
      %dma_start3A_174 = tpu.memref_squeeze %dma_start3A_173 : memref<1x10112x16xf32, #tpu.memory_space<hbm>> -> memref<10112x16xf32, #tpu.memory_space<hbm>>
      %dma_start3A_175 = arith.constant 0 : i32
      %dma_start3A_176 = tpu.memref_slice %dma_start3A_174[%mul3A_2, %dma_start3A_175] : memref<10112x16xf32, #tpu.memory_space<hbm>> -> memref<632x16xf32, #tpu.memory_space<hbm>>
      tpu.enqueue_dma source(%arg12 : memref<632x16xf32, #tpu.memory_space<vmem>>) target(%dma_start3A_176 : memref<632x16xf32, #tpu.memory_space<hbm>>) target_semaphore(%run_scoped3A_164 : memref<!tpu.dma_semaphore, #tpu.memory_space<semaphore_mem>>)
      %dma_wait3A_177 = arith.constant 0 : i32
      %dma_wait3A_178 = arith.constant 0 : i32
      %dma_wait3A_179 = tpu.memref_slice %arg6[%arg0, %dma_wait3A_177, %dma_wait3A_178] : memref<2x10112x16xf32, #tpu.memory_space<hbm>> -> memref<1x10112x16xf32, #tpu.memory_space<hbm>>
      %dma_wait3A_180 = tpu.memref_squeeze %dma_wait3A_179 : memref<1x10112x16xf32, #tpu.memory_space<hbm>> -> memref<10112x16xf32, #tpu.memory_space<hbm>>
      %dma_wait3A_181 = arith.constant 0 : i32
      %dma_wait3A_182 = tpu.memref_slice %dma_wait3A_180[%mul3A_2, %dma_wait3A_181] : memref<10112x16xf32, #tpu.memory_space<hbm>> -> memref<632x16xf32, #tpu.memory_space<hbm>>
      %dma_wait3A_183 = arith.constant 0 : i32
      %dma_wait3A_184 = arith.constant 0 : i32
      %dma_wait3A_185 = tpu.memref_slice %arg6[%arg0, %dma_wait3A_183, %dma_wait3A_184] : memref<2x10112x16xf32, #tpu.memory_space<hbm>> -> memref<1x10112x16xf32, #tpu.memory_space<hbm>>
      %dma_wait3A_186 = tpu.memref_squeeze %dma_wait3A_185 : memref<1x10112x16xf32, #tpu.memory_space<hbm>> -> memref<10112x16xf32, #tpu.memory_space<hbm>>
      %dma_wait3A_187 = arith.constant 0 : i32
      %dma_wait3A_188 = tpu.memref_slice %dma_wait3A_186[%mul3A_2, %dma_wait3A_187] : memref<10112x16xf32, #tpu.memory_space<hbm>> -> memref<632x16xf32, #tpu.memory_space<hbm>>
      tpu.wait_dma2 semaphore(%run_scoped3A_164 : memref<!tpu.dma_semaphore, #tpu.memory_space<semaphore_mem>>) src(%arg12 : memref<632x16xf32, #tpu.memory_space<vmem>>) dst(%dma_wait3A_188 : memref<632x16xf32, #tpu.memory_space<hbm>>)
      tpu.yield
    }) : () -> ()
    return
  }
}

module attributes {stable_mosaic.version = 14 : i64} {
  func.func @body(%arg0: i32, %arg1: memref<1000x128xf32, #tpu.memory_space<vmem>>, %arg2: memref<128x16xf32, #tpu.memory_space<vmem>>, %arg3: memref<128x16xf32, #tpu.memory_space<vmem>>, %arg4: memref<1x16xf32, #tpu.memory_space<vmem>>, %arg5: memref<1000x16xf32, #tpu.memory_space<vmem>>, %arg6: memref<1000x16xf32, #tpu.memory_space<vmem>>) attributes {dimension_semantics = [#tpu.dimension_semantics<arbitrary>], iteration_bounds = array<i64: 10>, scalar_prefetch = 0 : i64, scratch_operands = 0 : i64, tpu.core_type = #tpu.core_type<tc>, window_params = [{transform_indices = @transform_0, window_bounds = array<i64: 1000, 128>}, {pipeline_mode = #tpu.pipeline_mode<synchronous>, transform_indices = @transform_1, window_bounds = array<i64: 128, 16>}, {pipeline_mode = #tpu.pipeline_mode<synchronous>, transform_indices = @transform_2, window_bounds = array<i64: 128, 16>}, {pipeline_mode = #tpu.pipeline_mode<synchronous>, transform_indices = @transform_3, window_bounds = array<i64: 1, 16>}, {transform_indices = @transform_4, window_bounds = array<i64: 1000, 16>}, {transform_indices = @transform_5, window_bounds = array<i64: 1000, 16>}]} {
    %get3A = arith.constant 0 : index
    %get3A_0 = arith.constant 0 : index
    %get3A_1 = vector.load %arg1[%get3A, %get3A_0] : memref<1000x128xf32, #tpu.memory_space<vmem>>, vector<1000x128xf32>
    %get3A_2 = arith.constant 0 : index
    %get3A_3 = arith.constant 0 : index
    %get3A_4 = vector.load %arg2[%get3A_2, %get3A_3] : memref<128x16xf32, #tpu.memory_space<vmem>>, vector<128x16xf32>
    %dot_general3A = arith.constant dense<0.000000e+00> : vector<1000x16xf32>
    %dot_general3A_5 = tpu.matmul %get3A_1, %get3A_4, %dot_general3A {dimension_numbers = #tpu.dot_dimension_numbers<[1], [0], [0], [1], [0, 0, 1, 1], [], []>, transpose_lhs_hint = false} : vector<1000x128xf32>, vector<128x16xf32>, vector<1000x16xf32> -> vector<1000x16xf32>
    %swap3A = arith.constant 0 : index
    %swap3A_6 = arith.constant 0 : index
    %swap3A_7 = vector.load %arg5[%swap3A, %swap3A_6] : memref<1000x16xf32, #tpu.memory_space<vmem>>, vector<1000x16xf32>
    tpu.vector_store %arg5[%swap3A, %swap3A_6], %dot_general3A_5 {strides = array<i32>} : memref<1000x16xf32, #tpu.memory_space<vmem>>, vector<1000x16xf32>,
    %get3A_8 = arith.constant 0 : index
    %get3A_9 = arith.constant 0 : index
    %get3A_10 = vector.load %arg3[%get3A_8, %get3A_9] : memref<128x16xf32, #tpu.memory_space<vmem>>, vector<128x16xf32>
    %dot_general3A_11 = arith.constant dense<0.000000e+00> : vector<1000x16xf32>
    %dot_general3A_12 = tpu.matmul %get3A_1, %get3A_10, %dot_general3A_11 {dimension_numbers = #tpu.dot_dimension_numbers<[1], [0], [0], [1], [0, 0, 1, 1], [], []>, transpose_lhs_hint = false} : vector<1000x128xf32>, vector<128x16xf32>, vector<1000x16xf32> -> vector<1000x16xf32>
    %get3A_13 = arith.constant 0 : index
    %get3A_14 = arith.constant 0 : index
    %get3A_15 = vector.load %arg4[%get3A_13, %get3A_14] : memref<1x16xf32, #tpu.memory_space<vmem>>, vector<1x16xf32>
    %add3A = vector.broadcast %get3A_15 : vector<1x16xf32> to vector<1000x16xf32>
    %add3A_16 = arith.addf %dot_general3A_12, %add3A : vector<1000x16xf32>
    %swap3A_17 = arith.constant 0 : index
    %swap3A_18 = arith.constant 0 : index
    %swap3A_19 = vector.load %arg6[%swap3A_17, %swap3A_18] : memref<1000x16xf32, #tpu.memory_space<vmem>>, vector<1000x16xf32>
    tpu.vector_store %arg6[%swap3A_17, %swap3A_18], %add3A_16 {strides = array<i32>} : memref<1000x16xf32, #tpu.memory_space<vmem>>, vector<1000x16xf32>,
    return
  }
  func.func @transform_0(%arg0: i32) -> (i32, i32) {
    %c0_i32 = arith.constant 0 : i32
    %c0_i32_0 = arith.constant 0 : i32
    return %arg0, %c0_i32 : i32, i32
  }
  func.func @transform_1(%arg0: i32) -> (i32, i32) {
    %c0_i32 = arith.constant 0 : i32
    %c0_i32_0 = arith.constant 0 : i32
    %c0_i32_1 = arith.constant 0 : i32
    return %c0_i32, %c0_i32_0 : i32, i32
  }
  func.func @transform_2(%arg0: i32) -> (i32, i32) {
    %c0_i32 = arith.constant 0 : i32
    %c0_i32_0 = arith.constant 0 : i32
    %c0_i32_1 = arith.constant 0 : i32
    return %c0_i32, %c0_i32_0 : i32, i32
  }
  func.func @transform_3(%arg0: i32) -> (i32, i32) {
    %c0_i32 = arith.constant 0 : i32
    %c0_i32_0 = arith.constant 0 : i32
    %c0_i32_1 = arith.constant 0 : i32
    return %c0_i32, %c0_i32_0 : i32, i32
  }
  func.func @transform_4(%arg0: i32) -> (i32, i32) {
    %c0_i32 = arith.constant 0 : i32
    %c0_i32_0 = arith.constant 0 : i32
    return %arg0, %c0_i32 : i32, i32
  }
  func.func @transform_5(%arg0: i32) -> (i32, i32) {
    %c0_i32 = arith.constant 0 : i32
    %c0_i32_0 = arith.constant 0 : i32
    return %arg0, %c0_i32 : i32, i32
  }
}

module attributes {stable_mosaic.version = 14 : i64} {
  func.func @body(%arg0: i32, %arg1: memref<2x1000x16xf32, #tpu.memory_space<vmem>>, %arg2: memref<2x1000x16xf32, #tpu.memory_space<vmem>>, %arg3: memref<2x1000x16xf32, #tpu.memory_space<vmem>>, %arg4: memref<1000x16xf32, #tpu.memory_space<vmem>>, %arg5: memref<16x40xf32, #tpu.memory_space<vmem>>, %arg6: memref<16x40xf32, #tpu.memory_space<vmem>>, %arg7: memref<1x40xf32, #tpu.memory_space<vmem>>, %arg8: memref<1000x40xf32, #tpu.memory_space<vmem>>) attributes {dimension_semantics = [#tpu.dimension_semantics<arbitrary>], iteration_bounds = array<i64: 10>, scalar_prefetch = 0 : i64, scratch_operands = 0 : i64, tpu.core_type = #tpu.core_type<tc>, window_params = [{transform_indices = @transform_0, window_bounds = array<i64: 2, 1000, 16>}, {transform_indices = @transform_1, window_bounds = array<i64: 2, 1000, 16>}, {transform_indices = @transform_2, window_bounds = array<i64: 2, 1000, 16>}, {transform_indices = @transform_3, window_bounds = array<i64: 1000, 16>}, {pipeline_mode = #tpu.pipeline_mode<synchronous>, transform_indices = @transform_4, window_bounds = array<i64: 16, 40>}, {pipeline_mode = #tpu.pipeline_mode<synchronous>, transform_indices = @transform_5, window_bounds = array<i64: 16, 40>}, {pipeline_mode = #tpu.pipeline_mode<synchronous>, transform_indices = @transform_6, window_bounds = array<i64: 1, 40>}, {transform_indices = @transform_7, window_bounds = array<i64: 1000, 40>}]} {
    %get3A = arith.constant 0 : index
    %get3A_0 = arith.constant 0 : index
    %get3A_1 = arith.constant 0 : index
    %get3A_2 = vector.load %arg2[%get3A, %get3A_0, %get3A_1] : memref<2x1000x16xf32, #tpu.memory_space<vmem>>, vector<1x1000x1xf32>
    %get3A_3 = vector.shape_cast %get3A_2 : vector<1x1000x1xf32> to vector<1000x1xf32>
    %get3A_4 = arith.constant 1 : index
    %get3A_5 = arith.constant 0 : index
    %get3A_6 = arith.constant 0 : index
    %get3A_7 = vector.load %arg2[%get3A_4, %get3A_5, %get3A_6] : memref<2x1000x16xf32, #tpu.memory_space<vmem>>, vector<1x1000x1xf32>
    %get3A_8 = vector.shape_cast %get3A_7 : vector<1x1000x1xf32> to vector<1000x1xf32>
    %add3A = arith.addf %get3A_3, %get3A_8 : vector<1000x1xf32>
    %max3A = arith.constant 1.000000e+00 : f32
    %max3A_9 = vector.broadcast %max3A : f32 to vector<1000x1xf32>
    %max3A_10 = arith.maximumf %add3A, %max3A_9 : vector<1000x1xf32>
    %get3A_11 = arith.constant 0 : index
    %get3A_12 = arith.constant 0 : index
    %get3A_13 = arith.constant 0 : index
    %get3A_14 = vector.load %arg1[%get3A_11, %get3A_12, %get3A_13] : memref<2x1000x16xf32, #tpu.memory_space<vmem>>, vector<1x1000x16xf32>
    %get3A_15 = vector.shape_cast %get3A_14 : vector<1x1000x16xf32> to vector<1000x16xf32>
    %get3A_16 = arith.constant 1 : index
    %get3A_17 = arith.constant 0 : index
    %get3A_18 = arith.constant 0 : index
    %get3A_19 = vector.load %arg1[%get3A_16, %get3A_17, %get3A_18] : memref<2x1000x16xf32, #tpu.memory_space<vmem>>, vector<1x1000x16xf32>
    %get3A_20 = vector.shape_cast %get3A_19 : vector<1x1000x16xf32> to vector<1000x16xf32>
    %add3A_21 = arith.addf %get3A_15, %get3A_20 : vector<1000x16xf32>
    %div3A = vector.broadcast %max3A_10 : vector<1000x1xf32> to vector<1000x16xf32>
    %div3A_22 = arith.divf %add3A_21, %div3A : vector<1000x16xf32>
    %get3A_23 = arith.constant 0 : index
    %get3A_24 = arith.constant 0 : index
    %get3A_25 = vector.load %arg4[%get3A_23, %get3A_24] : memref<1000x16xf32, #tpu.memory_space<vmem>>, vector<1000x16xf32>
    %add3A_26 = arith.addf %div3A_22, %get3A_25 : vector<1000x16xf32>
    %max3A_27 = arith.constant 0.000000e+00 : f32
    %max3A_28 = vector.broadcast %max3A_27 : f32 to vector<1000x16xf32>
    %max3A_29 = arith.maximumf %add3A_26, %max3A_28 : vector<1000x16xf32>
    %get3A_30 = arith.constant 0 : index
    %get3A_31 = arith.constant 0 : index
    %get3A_32 = arith.constant 0 : index
    %get3A_33 = vector.load %arg3[%get3A_30, %get3A_31, %get3A_32] : memref<2x1000x16xf32, #tpu.memory_space<vmem>>, vector<1x1000x16xf32>
    %get3A_34 = vector.shape_cast %get3A_33 : vector<1x1000x16xf32> to vector<1000x16xf32>
    %get3A_35 = arith.constant 1 : index
    %get3A_36 = arith.constant 0 : index
    %get3A_37 = arith.constant 0 : index
    %get3A_38 = vector.load %arg3[%get3A_35, %get3A_36, %get3A_37] : memref<2x1000x16xf32, #tpu.memory_space<vmem>>, vector<1x1000x16xf32>
    %get3A_39 = vector.shape_cast %get3A_38 : vector<1x1000x16xf32> to vector<1000x16xf32>
    %add3A_40 = arith.addf %get3A_34, %get3A_39 : vector<1000x16xf32>
    %div3A_41 = vector.broadcast %max3A_10 : vector<1000x1xf32> to vector<1000x16xf32>
    %div3A_42 = arith.divf %add3A_40, %div3A_41 : vector<1000x16xf32>
    %get3A_43 = arith.constant 0 : index
    %get3A_44 = arith.constant 0 : index
    %get3A_45 = vector.load %arg5[%get3A_43, %get3A_44] : memref<16x40xf32, #tpu.memory_space<vmem>>, vector<16x40xf32>
    %dot_general3A = arith.constant dense<0.000000e+00> : vector<1000x40xf32>
    %dot_general3A_46 = tpu.matmul %div3A_42, %get3A_45, %dot_general3A {dimension_numbers = #tpu.dot_dimension_numbers<[1], [0], [0], [1], [0, 0, 1, 1], [], []>, transpose_lhs_hint = false} : vector<1000x16xf32>, vector<16x40xf32>, vector<1000x40xf32> -> vector<1000x40xf32>
    %get3A_47 = arith.constant 0 : index
    %get3A_48 = arith.constant 0 : index
    %get3A_49 = vector.load %arg6[%get3A_47, %get3A_48] : memref<16x40xf32, #tpu.memory_space<vmem>>, vector<16x40xf32>
    %dot_general3A_50 = arith.constant dense<0.000000e+00> : vector<1000x40xf32>
    %dot_general3A_51 = tpu.matmul %max3A_29, %get3A_49, %dot_general3A_50 {dimension_numbers = #tpu.dot_dimension_numbers<[1], [0], [0], [1], [0, 0, 1, 1], [], []>, transpose_lhs_hint = false} : vector<1000x16xf32>, vector<16x40xf32>, vector<1000x40xf32> -> vector<1000x40xf32>
    %add3A_52 = arith.addf %dot_general3A_46, %dot_general3A_51 : vector<1000x40xf32>
    %get3A_53 = arith.constant 0 : index
    %get3A_54 = arith.constant 0 : index
    %get3A_55 = vector.load %arg7[%get3A_53, %get3A_54] : memref<1x40xf32, #tpu.memory_space<vmem>>, vector<1x40xf32>
    %add3A_56 = vector.broadcast %get3A_55 : vector<1x40xf32> to vector<1000x40xf32>
    %add3A_57 = arith.addf %add3A_52, %add3A_56 : vector<1000x40xf32>
    %reduce_max3A = arith.constant dense<0xFF800000> : vector<1000xf32>
    %reduce_max3A_58 = vector.multi_reduction <maximumf>, %add3A_57, %reduce_max3A [1] : vector<1000x40xf32> to vector<1000xf32>
    %broadcast_in_dim3A = vector.shape_cast %reduce_max3A_58 : vector<1000xf32> to vector<1000x1xf32>
    %sub3A = vector.broadcast %broadcast_in_dim3A : vector<1000x1xf32> to vector<1000x40xf32>
    %sub3A_59 = arith.subf %add3A_57, %sub3A : vector<1000x40xf32>
    %exp3A = math.exp %sub3A_59 : vector<1000x40xf32>
    %reduce_sum3A = arith.constant dense<0.000000e+00> : vector<1000xf32>
    %reduce_sum3A_60 = vector.multi_reduction <add>, %exp3A, %reduce_sum3A [1] : vector<1000x40xf32> to vector<1000xf32>
    %broadcast_in_dim3A_61 = vector.shape_cast %reduce_sum3A_60 : vector<1000xf32> to vector<1000x1xf32>
    %log3A = math.log %broadcast_in_dim3A_61 : vector<1000x1xf32>
    %sub3A_62 = vector.broadcast %broadcast_in_dim3A : vector<1000x1xf32> to vector<1000x40xf32>
    %sub3A_63 = arith.subf %add3A_57, %sub3A_62 : vector<1000x40xf32>
    %sub3A_64 = vector.broadcast %log3A : vector<1000x1xf32> to vector<1000x40xf32>
    %sub3A_65 = arith.subf %sub3A_63, %sub3A_64 : vector<1000x40xf32>
    %swap3A = arith.constant 0 : index
    %swap3A_66 = arith.constant 0 : index
    %swap3A_67 = vector.load %arg8[%swap3A, %swap3A_66] : memref<1000x40xf32, #tpu.memory_space<vmem>>, vector<1000x40xf32>
    tpu.vector_store %arg8[%swap3A, %swap3A_66], %sub3A_65 {strides = array<i32>} : memref<1000x40xf32, #tpu.memory_space<vmem>>, vector<1000x40xf32>,
    return
  }
  func.func @transform_0(%arg0: i32) -> (i32, i32, i32) {
    %c0_i32 = arith.constant 0 : i32
    %c0_i32_0 = arith.constant 0 : i32
    %c0_i32_1 = arith.constant 0 : i32
    return %c0_i32, %arg0, %c0_i32_0 : i32, i32, i32
  }
  func.func @transform_1(%arg0: i32) -> (i32, i32, i32) {
    %c0_i32 = arith.constant 0 : i32
    %c0_i32_0 = arith.constant 0 : i32
    %c0_i32_1 = arith.constant 0 : i32
    return %c0_i32, %arg0, %c0_i32_0 : i32, i32, i32
  }
  func.func @transform_2(%arg0: i32) -> (i32, i32, i32) {
    %c0_i32 = arith.constant 0 : i32
    %c0_i32_0 = arith.constant 0 : i32
    %c0_i32_1 = arith.constant 0 : i32
    return %c0_i32, %arg0, %c0_i32_0 : i32, i32, i32
  }
  func.func @transform_3(%arg0: i32) -> (i32, i32) {
    %c0_i32 = arith.constant 0 : i32
    %c0_i32_0 = arith.constant 0 : i32
    return %arg0, %c0_i32 : i32, i32
  }
  func.func @transform_4(%arg0: i32) -> (i32, i32) {
    %c0_i32 = arith.constant 0 : i32
    %c0_i32_0 = arith.constant 0 : i32
    %c0_i32_1 = arith.constant 0 : i32
    return %c0_i32, %c0_i32_0 : i32, i32
  }
  func.func @transform_5(%arg0: i32) -> (i32, i32) {
    %c0_i32 = arith.constant 0 : i32
    %c0_i32_0 = arith.constant 0 : i32
    %c0_i32_1 = arith.constant 0 : i32
    return %c0_i32, %c0_i32_0 : i32, i32
  }
  func.func @transform_6(%arg0: i32) -> (i32, i32) {
    %c0_i32 = arith.constant 0 : i32
    %c0_i32_0 = arith.constant 0 : i32
    %c0_i32_1 = arith.constant 0 : i32
    return %c0_i32, %c0_i32_0 : i32, i32
  }
  func.func @transform_7(%arg0: i32) -> (i32, i32) {
    %c0_i32 = arith.constant 0 : i32
    %c0_i32_0 = arith.constant 0 : i32
    return %arg0, %c0_i32 : i32, i32
  }
}

</mosaic_0001>

<sc_bundles>
// kernel: kernel.6.cloned.1.call-start
scs
__scs_entry_jumppad:
0x0: {  	(pc) =	sbr.rel $0x88, $3  }
0x1: {  	(tag) =	ssettag $0x0;
	lr =	simm.s32 $0x1  }
0x2: {  	[smem:$0x3F97] =	sst lr;
	_ =	strace $0xD0000000  }
0x3: {  	_ = 	snop  }
0x4: {  	_ = 	snop  }
0x5: {  	_ = 	snop  }
0x6: {  	_ = 	snop  }
0x7: {  	_ = 	snop  }
__scs_overlays_trampoline_lowered:
0x8: {  	[smem:$0x3FA6] =	sst s0  }
0x9: {  	[smem:$0x3FA7] =	sst s1  }
0xa: {  	[smem:$0x3FA8] =	sst s2  }
0xb: {  	[smem:$0x3FA9] =	sst s3  }
0xc: {  	[smem:$0x3FAA] =	sst s4  }
0xd: {  	[smem:$0x3FAB] =	sst s5  }
0xe: {  	[smem:$0x3FAC] =	sst s6  }
0xf: {  	[smem:$0x3FAD] =	sst s7  }
0x10: {  	[smem:$0x3FAE] =	sst s8  }
0x11: {  	[smem:$0x3FAF] =	sst s9;
	s0 =	simm.s32 @!p0 $0x0  }
0x12: {  	s1 =	sld [smem:$0x3F95];
	s0 =	simm.s32 @p0 $0x1  }
0x13: {  	[smem:$0x3FB0] =	sst s0;
	s0 =	simm.s32 @!p1 $0x0  }
0x14: {  	s2 =	sld [smem:$0x3F94];
	s0 =	simm.s32 @p1 $0x1  }
0x15: {  	[smem:$0x3FB1] =	sst s0;
	s0 =	simm.s32 @!p2 $0x0  }
0x16: {  	s3 =	sld [smem:$0x3FDB];
	s0 =	simm.s32 @p2 $0x1  }
0x17: {  	s4 =	simm.s32 $0x1BF5;
	[smem:$0x3FB3] =	sst s0  }
0x18: {  	s0 =	sld [smem:$0x3F96];
	_ =	swait.ge [sflag:s4], $0x0  }
0x19: {  	s7 =	sld [smem:$0x3F97]  }
0x1a: {  	s8 =	sadd.s32 $0xFFFFE003, lr  }
0x1b: {  	s9 =	sadd.s32 $0xFFFFFEF7, lr;
	s5 =	simm.s32 $0xFFFFFFFF;
	p2 =	slt.u32 s8, $0xFFFFF086  }
0x1c: {  	p1 =	slt.u32 s9, $0xF7A;
	s5 =	simm.s32 @!p2 $0x0  }
0x1d: {  	s5 =	simm.s32 @p1 $0x1;
	p0 =	seq.s32 s7, s2  }
0x1e: {  	s7 =	smul.u32 @!p0 $0xF7A, s2;
	p2 =	seq.s32 @!p0 s5, $0x0  }
0x1f: {  	s9 =	smul.u32 $0xF7A, s1;
	s8 =	simm.s32 @!p0 $0x1BF5;
	p2 =	por !p2, p0  }
0x20: {  	[sflag:s8] =	ssyncset.s32 @!p0 $0xFFFFF086;
	s6 =	sadd.s32 @!p0 s3, s7;
	s7 =	simm.s32 @!p0 $0x108  }
0x21: {  	s3 =	sadd.s32 s3, s9;
	s6 =	sadd.s32 @!p0 $0x88, s6;
	s7 =	simm.s32 @p2 $0x1082  }
0x22: {  	[simem:s7], [sflag:s8] =	dma.local @!p0 [hbm:s6], $0xF7A  }
0x23: {  	s9 =	sor.u32 $0xD0000000, s2;
	s6 =	simm.s32 $0x108;
	_ =	swait.ge @!p0 [sflag:s8], $0x0  }
0x24: {  	s3 =	sadd.s32 $0x88, s3;
	s6 =	simm.s32 @!p1 $0x1082;
	[sflag:s4] =	ssyncset.s32 $0xFFFFF086  }
0x25: {  	[simem:s6], [sflag:s4] =	dma.local [hbm:s3], $0xF7A  }
0x26: {  	[smem:$0x3F97] =	sst s1;
	(tag) =	ssettag s2;
	_ =	strace s9  }
0x27: {  	s1 =	sld [smem:$0x3FA7]  }
0x28: {  	s2 =	sld [smem:$0x3FA8]  }
0x29: {  	s4 =	sld [smem:$0x3FAA]  }
0x2a: {  	p0 =	seq.s32 s5, $0x0;
	s5 =	sld [smem:$0x3FAB]  }
0x2b: {  	s6 =	sld [smem:$0x3FAC]  }
0x2c: {  	s7 =	sld [smem:$0x3FAD]  }
0x2d: {  	s3 =	simm.s32 $0x108;
	s8 =	sld [smem:$0x3FAE]  }
0x2e: {  	s3 =	simm.s32 @!p0 $0x1082;
	s9 =	sld [smem:$0x3FAF]  }
0x2f: {  	lr =	sadd.s32 s0, s3;
	s0 =	sld [smem:$0x3FA6]  }
0x30: {  	s3 =	sld [smem:$0x3FA9]  }
0x31: {  	[smem:$0x3FB2] =	sst s10  }
0x32: {  	s10 =	sld [smem:$0x3FB0];
	_ =	sdelay $0x3  }
0x33: {  	p0 =	seq.s32 s10, $0x1;
	s10 =	sld [smem:$0x3FB2];
	_ =	sdelay $0x3  }
0x34: {  	[smem:$0x3FB2] =	sst s10  }
0x35: {  	s10 =	sld [smem:$0x3FB1];
	_ =	sdelay $0x3  }
0x36: {  	p1 =	seq.s32 s10, $0x1;
	s10 =	sld [smem:$0x3FB2];
	_ =	sdelay $0x3  }
0x37: {  	[smem:$0x3FB2] =	sst s10  }
0x38: {  	s10 =	sld [smem:$0x3FB3]  }
0x39: {  	_ = 	snop;
	(pc) =	sbr.ind lr, $3  }
0x3a: {  	_ = 	snop  }
0x3b: {  	_ = 	snop  }
0x3c: {  	p2 =	seq.s32 s10, $0x1;
	s10 =	sld [smem:$0x3FB2]  }
0x3d: {  	_ =	shalt  }
0x3e: {  	_ =	shalt  }
0x3f: {  	_ =	shalt  }
0x40: {  	_ =	shalt  }
0x41: {  	_ =	shalt  }
0x42: {  	_ =	shalt  }
0x43: {  	_ =	shalt  }
0x44: {  	_ =	shalt  }
0x45: {  	_ =	shalt  }
0x46: {  	_ =	shalt  }
0x47: {  	_ =	shalt  }
0x48: {  	_ =	shalt  }
0x49: {  	_ =	shalt  }
0x4a: {  	_ =	shalt  }
0x4b: {  	_ =	shalt  }
0x4c: {  	_ =	shalt  }
0x4d: {  	_ =	shalt  }
0x4e: {  	_ =	shalt  }
0x4f: {  	_ =	shalt  }
0x50: {  	_ =	shalt  }
0x51: {  	_ =	shalt  }
0x52: {  	_ =	shalt  }
0x53: {  	_ =	shalt  }
0x54: {  	_ =	shalt  }
0x55: {  	_ =	shalt  }
0x56: {  	_ =	shalt  }
0x57: {  	_ =	shalt  }
0x58: {  	_ =	shalt  }
0x59: {  	_ =	shalt  }
0x5a: {  	_ =	shalt  }
0x5b: {  	_ =	shalt  }
0x5c: {  	_ =	shalt  }
0x5d: {  	_ =	shalt  }
0x5e: {  	_ =	shalt  }
0x5f: {  	_ =	shalt  }
0x60: {  	_ =	shalt  }
0x61: {  	_ =	shalt  }
0x62: {  	_ =	shalt  }
0x63: {  	_ =	shalt  }
0x64: {  	_ =	shalt  }
0x65: {  	_ =	shalt  }
0x66: {  	_ =	shalt  }
0x67: {  	_ =	shalt  }
0x68: {  	_ =	shalt  }
0x69: {  	_ =	shalt  }
0x6a: {  	_ =	shalt  }
0x6b: {  	_ =	shalt  }
0x6c: {  	_ =	shalt  }
0x6d: {  	_ =	shalt  }
0x6e: {  	_ =	shalt  }
0x6f: {  	_ =	shalt  }
0x70: {  	_ =	shalt  }
0x71: {  	_ =	shalt  }
0x72: {  	_ =	shalt  }
0x73: {  	_ =	shalt  }
0x74: {  	_ =	shalt  }
0x75: {  	_ =	shalt  }
0x76: {  	_ =	shalt  }
0x77: {  	_ =	shalt  }
0x78: {  	_ =	shalt  }
0x79: {  	_ =	shalt  }
0x7a: {  	_ =	shalt  }
0x7b: {  	_ =	shalt  }
0x7c: {  	_ =	shalt  }
0x7d: {  	_ =	shalt  }
0x7e: {  	_ =	shalt  }
0x7f: {  	_ =	shalt  }
0x80: {  	_ =	shalt  }
0x81: {  	_ =	shalt  }
0x82: {  	_ =	shalt  }
0x83: {  	_ =	shalt  }
0x84: {  	_ =	shalt  }
0x85: {  	_ =	shalt  }
0x86: {  	_ =	shalt  }
0x87: {  	_ =	shalt  }
.Lfunc_end0:
.L_simem_size_0:
called_computation_lowered:
.L_overlay_start_0:
0x88: {  	s2 =	sld [smem:$0x3FD9]  }
0x89: {  	s3 =	sld [smem:$0x3FFE];
	_ =	sdelay $0x1  }
0x8a: {  	s1 =	srdreg.scid  }
0x8b: {  	s0 =	sand.u32 $0x1, s1  }
0x8c: {  	s17 =	sshll.u32 s0, $0xA;
	s2 =	sadd.s32 s3, s2  }
0x8d: {  	s2 =	sadd.s32 s2, s17  }
0x8e: {  	[smem:$0x3FBE] =	sst s2  }
0x8f: {  	_ = 	snop  }
0x90: {  	s2 =	sld [smem:$0x3FD0];
	(tm) =	ssettm $0x1  }
0x91: {  	s18 =	sld [smem:$0x3FFB];
	_ =	sdelay $0x3  }
0x92: {  	_ =	strace s18  }
0x93: {  	s3 =	sld [smem:$0x3FFC];
	_ =	sdelay $0x3  }
0x94: {  	_ =	strace s3  }
0x95: {  	s3 =	sld [smem:$0x3FFD];
	_ =	sdelay $0x3  }
0x96: {  	_ =	strace s3  }
0x97: {  	_ =	strace $0x8FFFFFFF  }
0x98: {  	s19 =	sld [smem:$0x3FDB];
	_ =	sdelay $0x1  }
0x99: {  	s4 =	simm.s32 $_scs_section_size  }
0x9a: {  	s5 =	simm.s32 $_size__tile_overlayer_lowered;
	s6 =	simm.s32 $_tile_overlayer_lowered  }
0x9b: {  	s22 =	simm.s32 $0x1BFF;
	s21 =	sshll.u32 s6, $0x1;
	s3 =	sadd.s32 s4, s19  }
0x9c: {  	s7 =	simm.s32 $0x0;
	s20 =	sshll.u32 s5, $0x1;
	s5 =	sadd.s32 s21, s3  }
0x9d: {  	[timem:s7], [sflag:s22] =	dma.local [hbm:s5], s20  }
0x9e: {  	_ =	swait.ge [sflag:s22], s20  }
0x9f: {  	s4 =	ssub.s32 $0x0, s20;
	[sflag:s22] =	ssyncset.done $0x0  }
0xa0: {  	[sflag:s22] =	ssyncadd.s32 s4;
	_ =	sdelay $0x1  }
0xa1: {  	s23 =	simm.s32 $0x1B8B  }
0xa2: {  	_ =	swait.ge [sflag:s23], $0x1  }
0xa3: {  	[sflag:s23] =	ssyncset.done $0x0  }
0xa4: {  	s25 =	simm.s32 $0x1B8E;
	s24 =	sld [smem:$0x3FFE];
	[sflag:s23] =	ssyncadd.s32 $0xFFFFFFFF  }
0xa5: {  	s26 =	simm.s32 $execute0_lowered;
	[smem:$0x3FD2] =	sst s25  }
0xa6: {  	s5 =	sshll.u32 s26, $0x1;
	_ =	strace $0x80000046;
	[dreg:$0x1] =	wrdreg $0xFFFFFFFF  }
0xa7: {  	s28 =	simm.s32 $_size_execute0_lowered;
	s3 =	sadd.s32 s3, s5;
	[dreg:$0x0] =	wrdreg $0x0  }
0xa8: {  	s5 =	sshll.u32 s28, $0x1;
	[dreg:$0x2] =	wrdreg s3  }
0xa9: {  	[dreg:$0x3] =	wrdreg s5  }
0xaa: {  	[dreg:$0x4] =	wrdreg $0xC0  }
0xab: {  	_ =	task [dreg:s7], $0x5FFFF  }
0xac: {  	[dreg:$0x1] =	wrdreg $0xFFFFFFFF  }
0xad: {  	[dreg:$0x0] =	wrdreg $0x60  }
0xae: {  	[dreg:$0x2] =	wrdreg s24  }
0xaf: {  	[dreg:$0x3] =	wrdreg s2  }
0xb0: {  	[dreg:$0x4] =	wrdreg $0x11F000  }
0xb1: {  	[dreg:$0x5] =	wrdreg $0xF7800  }
0xb2: {  	[dreg:$0x6] =	wrdreg $0x186800  }
0xb3: {  	[dreg:$0x7] =	wrdreg $0x9  }
0xb4: {  	_ =	task.clear_ibuf [dreg:s7], $0x8FFFF;
	_ =	strace $0x90000046  }
0xb5: {  	s29 =	simm.s32 $0x9;
	_ =	strace $0x80000048  }
0xb6: {  	_ =	swait.ge [sflag:s29], $0x1  }
0xb7: {  	[sflag:s29] =	ssyncadd.s32 $0xFFFFFFFF  }
0xb8: {  	_ =	strace $0x90000048  }
0xb9: {  	_ =	sfence  }
0xba: {  	s30 =	sld [smem:$0x0];
	_ =	sdelay $0x2  }
0xbb: {  	s31 =	sshll.u32 s1, $0xD;
	s1 =	sshrl.u32 s1, $0x2  }
0xbc: {  	s3 =	sand.u32 $0x4000, s31;
	s1 =	sadd.s32 s1, s30  }
0xbd: {  	s0 =	sor.u32 s3, s0;
	s1 =	sshll.u32 s1, $0x11  }
0xbe: {  	s0 =	sor.u32 s1, s0  }
0xbf: {  	s0 =	sadd.s32 $0x8F2B, s0  }
0xc0: {  	[sflag:s0] =	ssyncadd.remote.s32 $0x1  }
0xc1: {  	_ =	sfence.sel $0xFFFF  }
0xc2: {  	[dreg:$0x0] =	wrdreg $0xFFFFFFFF;
	(pc) =	sbr.abs _section_cstart, $3  }
0xc3: {  	[dreg:$0x1] =	wrdreg $0xFFFFFFFF  }
0xc4: {  	_ =	task.clear_ibuf [dreg:s7], $0x2FFFF;
	_ =	strace $0x9FFFFFFF  }
0xc5: {  	(tm) =	ssettm $0x7FFFFFFF  }
tec
execute0_lowered:
.L_overlay_start_1:
0x0: {  	(tag) =	ssettag $0x1  }
0x1: {  	s0 =	rddreg [dreg:$0x0]  }
0x2: {  	s2 =	rddreg [dreg:$0x1]  }
0x3: {  	s1 =	rddreg [dreg:$0x2];
	s4 =	srdreg.scid  }
0x4: {  	s14 =	stileid.u32;
	s3 =	rddreg [dreg:$0x3];
	s15 =	simm.s32 $0x4  }
0x5: {  	s17 =	simm.s32 $0x2800;
	s18 =	simm.s32 $0x400;
	s19 =	simm.s32 $0x5000  }
0x6: {  	s20 =	simm.s32 $0x1;
	s28 =	simm.s32 $0x2C00;
	s30 =	simm.s32 $0x3000  }
0x7: {  	s31 =	simm.s32 $0x3C00;
	s29 =	simm.s32 $0x4000;
	s6 =	sand.u32 $0x1, s4  }
0x8: {  	s5 =	sshll.u32 s14, $0x1;
	s4 =	rddreg [dreg:$0x4];
	s8 =	smul.u32 $0x2780, s14  }
0x9: {  	s23 =	sadd.s32 $0x25080, s1;
	p0 =	seq.s32 s14, $0xF;
	s14 =	simm.s32 $0xD000  }
0xa: {  	s7 =	sor.u32 s6, s5;
	s5 =	simm.s32 $0x0;
	s9 =	smul.u32 $0x4F00, s6  }
0xb: {  	s6 =	ssub.s32 $0x2, s6;
	s7 =	smul.u32 $0x500, s7;
	[smem:$0x7FF] =	sst s5  }
0xc: {  	s10 =	sshrl.u32 s6, $0x1;
	s13 =	sshrl.u32 s8, $0x3;
	s22 =	sadd.s32 s8, s1  }
0xd: {  	s11 =	sadd.s32 s8, s4;
	_ =	strace $0x80000047;
	s9 =	sadd.s32 s9, s0  }
0xe: {  	s6 =	ssub.s32 s6, s10;
	s21 =	sadd.s32 s2, s13;
	[dreg:$0x7] =	wrdreg s22  }
0xf: {  	s2 =	sadd.s32 $0x4A10, s2;
	[dreg:$0x9] =	wrdreg s23;
	s10 =	sadd.s32 s8, s3  }
0x10: {  	s22 =	simm.s32 $0x14680;
	s8 =	simm.s32 $0x3;
	[dreg:$0x6] =	wrdreg s21  }
0x11: {  	s12 =	sadd.s32 s7, s0;
	[dreg:$0x8] =	wrdreg s2;
	s0 =	sadd.s32 $0xC600, s0  }
0x12: {  	s25 =	sadd.s32 $0x16600, s9;
	s26 =	sadd.s32 $0x20400, s9;
	s6 =	smax.u32 s6, $0x1  }
0x13: {  	s21 =	simm.s32 $0x9000;
	s2 =	simm.s32 $0x3400;
	s9 =	simm.s32 $0x0  }
0x14: {  	s24 =	sadd.s32 $0x2600, s12;
	[dreg:$0xb] =	wrdreg s6;
	s0 =	sadd.s32 s7, s0  }
0x15: {  	s23 =	sadd.s32 s13, s25;
	s25 =	simm.s32 $0x2;
	[dreg:$0xa] =	wrdreg s24  }
0x16: {  	s6 =	simm.s32 $0x4800;
	s7 =	simm.s32 $0x4C00;
	[dreg:$0xc] =	wrdreg s0  }
0x17: {  	v0 =	vimm.f32 $0.0e+00;
	v1 =	vimm.f32 $1.000000000e+00;
	s24 =	sadd.s32 s13, s26;
	s26 =	simm.s32 $0x3800;
	s0 =	simm.s32 $0x4400  }
.LBB2_1:
0x18: {  	s12 =	simm.s32 @p0 $0x0;
	s13 =	simm.s32 @p0 $0xD000;
	s16 =	rddreg [dreg:$0x8]  }
0x19: {  	[tilespmem:s13], [sflag:$0x4] =	stream.linear.gather @p0 [hbm4b:s16+s12], $0x2080, $0x38;
	[tilespmem:$0x1AE00] =	vst v63  }
0x1a: {  	s12 =	simm.s32 @p0 $0x4  }
0x1b: {  	_ =	swait.ge @p0 [sflag:s12], $0x2080  }
0x1c: {  	[sflag:s12] =	ssyncset.done @p0 $0x0  }
0x1d: {  	s16 =	rddreg [dreg:$0x9];
	[sflag:s12] =	ssyncadd.s32 @p0 $0xFFFFDF80  }
0x1e: {  	[spmem:s16] =	stream.linear.scatter @p0 [tilespmem:s13], [sflag:$0x4], $0x2080, $0x38;
	[tilespmem:$0x1AE00] =	vst v63  }
0x1f: {  	_ =	swait.ge @p0 [sflag:s12], $0x2080  }
0x20: {  	s13 =	simm.s32 @!p0 $0xD000;
	[sflag:s12] =	ssyncset.done @p0 $0x0  }
0x21: {  	s16 =	rddreg [dreg:$0x6];
	[sflag:s12] =	ssyncadd.s32 @p0 $0xFFFFDF80;
	s12 =	simm.s32 @!p0 $0x0  }
0x22: {  	[tilespmem:s13], [sflag:$0x4] =	stream.linear.gather @!p0 [hbm4b:s16+s12], $0x2780, $0x38;
	[tilespmem:$0x1AE00] =	vst v63  }
0x23: {  	s12 =	simm.s32 @!p0 $0x4  }
0x24: {  	_ =	swait.ge @!p0 [sflag:s12], $0x2780  }
0x25: {  	[sflag:s12] =	ssyncset.done @!p0 $0x0  }
0x26: {  	s16 =	rddreg [dreg:$0x7];
	[sflag:s12] =	ssyncadd.s32 @!p0 $0xFFFFD880  }
0x27: {  	[spmem:s16] =	stream.linear.scatter @!p0 [tilespmem:s13], [sflag:$0x4], $0x2780, $0x38;
	[tilespmem:$0x1AE00] =	vst v63  }
0x28: {  	_ =	swait.ge @!p0 [sflag:s12], $0x2780  }
0x29: {  	[sflag:s12] =	ssyncset.done @!p0 $0x0  }
0x2a: {  	s13 =	simm.s32 $0x0;
	[sflag:s12] =	ssyncadd.s32 @!p0 $0xFFFFD880;
	s12 =	simm.s32 $0x40  }
.LBB2_2:
0x2b: {  	p1 =	sne.s32 s12, $0x9DC0;
	[tilespmem:s13+$0xD000] =	vst v0;
	s13 =	smov.u32 s12;
	s12 =	sadd.s32 $0x40, s12  }
.Ltmp0:
0x2c: {  	(pc) =	sbr.rel @p1 .LBB2_2-.Ltmp0, $2  }
0x2d: {  	_ =	sdelay $0x2  }
0x2e: {  	s13 =	sshra.s32 s13, $0x2  }
0x2f: {  	[tilespmem:s13+$0xD000] =	vst v0  }
0x30: {  	[spmem:s10] =	stream.linear.scatter [tilespmem:s14], [sflag:$0x4], $0x2780, $0x38;
	[tilespmem:$0x1AE00] =	vst v63  }
0x31: {  	_ =	swait.ge [sflag:s15], $0x2780  }
0x32: {  	[sflag:s15] =	ssyncset.done $0x0  }
0x33: {  	[sflag:s15] =	ssyncadd.s32 $0xFFFFD880  }
0x34: {  	[spmem:s11] =	stream.linear.scatter [tilespmem:s14], [sflag:$0x4], $0x2780, $0x38;
	[tilespmem:$0x1AE00] =	vst v63  }
0x35: {  	_ =	swait.ge [sflag:s15], $0x2780  }
0x36: {  	[sflag:s15] =	ssyncset.done $0x0  }
0x37: {  	s12 =	simm.s32 $0x40;
	s13 =	simm.s32 $0x0;
	[sflag:s15] =	ssyncadd.s32 $0xFFFFD880  }
.LBB2_4:
0x38: {  	p1 =	sne.s32 s12, $0xFFC0;
	[tilespmem:s13+$0x14680] =	vst v1;
	s13 =	smov.u32 s12;
	s12 =	sadd.s32 $0x40, s12  }
.Ltmp1:
0x39: {  	(pc) =	sbr.rel @p1 .LBB2_4-.Ltmp1, $2  }
0x3a: {  	_ =	sdelay $0x2  }
0x3b: {  	s13 =	sshra.s32 s13, $0x2  }
0x3c: {  	[tilespmem:s13+$0x14680] =	vst v1;
	s12 =	rddreg [dreg:$0xa]  }
0x3d: {  	[tilespmem:s5], [sflag:$0x4] =	stream.linear.gather [hbm4b:s12+s5], $0x2800, $0x38;
	[tilespmem:$0x1AE00] =	vst v63  }
0x3e: {  	_ =	swait.ge [sflag:s15], $0x2800  }
0x3f: {  	[sflag:s15] =	ssyncset.done $0x0  }
0x40: {  	s13 =	rddreg [dreg:$0xc];
	[sflag:s15] =	ssyncadd.s32 $0xFFFFD800  }
0x41: {  	[tilespmem:s17], [sflag:$0x4] =	stream.linear.gather [hbm4b:s13+s5], $0x2800, $0x38;
	[tilespmem:$0x1AE00] =	vst v63  }
0x42: {  	_ =	swait.ge [sflag:s15], $0x2800  }
0x43: {  	[sflag:s15] =	ssyncset.done $0x0  }
0x44: {  	[sflag:s15] =	ssyncadd.s32 $0xFFFFD800  }
0x45: {  	[bflag:$0x0] =	sbarrier.arrive $0xFFFF  }
0x46: {  	[tilespmem:s19], [sflag:$0x1] =	stream.indirect.gather [spmem:s1], $0x10, s5, s18, $0xb8;
	[tilespmem:$0x1AE00] =	vst v63  }
0x47: {  	_ =	swait.ge [sflag:s20], $0x4000  }
0x48: {  	[sflag:s20] =	ssyncset.done $0x0  }
0x49: {  	[sflag:s20] =	ssyncadd.s32 $0xFFFFC000  }
0x4a: {  	[tilespmem:s21], [sflag:$0x2] =	stream.indirect.gather [spmem:s1], $0x10, s18, s18, $0xb8;
	[tilespmem:$0x1AE00] =	vst v63  }
0x4b: {  	_ = 	snop  }
0x4c: {  	[spmem:s3] =	stream.indirect.scatter.add.f32 [tilespmem:s19], [sflag:$0x4], $0x10, s17, s18, $0xb8;
	[tilespmem:$0x1AE00] =	vst v63  }
0x4d: {  	_ =	swait.ge [sflag:s15], $0x4000  }
0x4e: {  	[sflag:s15] =	ssyncset.done $0x0  }
0x4f: {  	[sflag:s15] =	ssyncadd.s32 $0xFFFFC000  }
0x50: {  	[spmem:s4] =	stream.indirect.scatter.add.f32 [tilespmem:s22], [sflag:$0x3], $0x10, s17, s18, $0xb8;
	[tilespmem:$0x1AE00] =	vst v63  }
0x51: {  	_ =	swait.ge [sflag:s25], $0x4000  }
0x52: {  	[sflag:s25] =	ssyncset.done $0x0  }
0x53: {  	s16 =	simm.s32 $0x800;
	[sflag:s25] =	ssyncadd.s32 $0xFFFFC000  }
0x54: {  	[tilespmem:s19], [sflag:$0x1] =	stream.indirect.gather [spmem:s1], $0x10, s16, s18, $0xb8;
	[tilespmem:$0x1AE00] =	vst v63  }
0x55: {  	_ = 	snop  }
0x56: {  	[spmem:s3] =	stream.indirect.scatter.add.f32 [tilespmem:s21], [sflag:$0x4], $0x10, s28, s18, $0xb8;
	[tilespmem:$0x1AE00] =	vst v63  }
0x57: {  	_ =	swait.ge [sflag:s15], $0x4000  }
0x58: {  	[sflag:s15] =	ssyncset.done $0x0  }
0x59: {  	[sflag:s15] =	ssyncadd.s32 $0xFFFFC000  }
0x5a: {  	[spmem:s4] =	stream.indirect.scatter.add.f32 [tilespmem:s22], [sflag:$0x3], $0x10, s28, s18, $0xb8;
	[tilespmem:$0x1AE00] =	vst v63  }
0x5b: {  	_ =	swait.ge [sflag:s20], $0x4000  }
0x5c: {  	[sflag:s20] =	ssyncset.done $0x0  }
0x5d: {  	s13 =	simm.s32 $0xC00;
	[sflag:s20] =	ssyncadd.s32 $0xFFFFC000  }
0x5e: {  	[tilespmem:s21], [sflag:$0x2] =	stream.indirect.gather [spmem:s1], $0x10, s13, s18, $0xb8;
	[tilespmem:$0x1AE00] =	vst v63  }
0x5f: {  	_ = 	snop  }
0x60: {  	[spmem:s3] =	stream.indirect.scatter.add.f32 [tilespmem:s19], [sflag:$0x4], $0x10, s30, s18, $0xb8;
	[tilespmem:$0x1AE00] =	vst v63  }
0x61: {  	_ =	swait.ge [sflag:s15], $0x4000  }
0x62: {  	[sflag:s15] =	ssyncset.done $0x0  }
0x63: {  	[sflag:s15] =	ssyncadd.s32 $0xFFFFC000  }
0x64: {  	[spmem:s4] =	stream.indirect.scatter.add.f32 [tilespmem:s22], [sflag:$0x3], $0x10, s30, s18, $0xb8;
	[tilespmem:$0x1AE00] =	vst v63  }
0x65: {  	_ =	swait.ge [sflag:s25], $0x4000  }
0x66: {  	[sflag:s25] =	ssyncset.done $0x0  }
0x67: {  	s16 =	simm.s32 $0x1000;
	[sflag:s25] =	ssyncadd.s32 $0xFFFFC000  }
0x68: {  	[tilespmem:s19], [sflag:$0x1] =	stream.indirect.gather [spmem:s1], $0x10, s16, s18, $0xb8;
	[tilespmem:$0x1AE00] =	vst v63  }
0x69: {  	_ = 	snop  }
0x6a: {  	[spmem:s3] =	stream.indirect.scatter.add.f32 [tilespmem:s21], [sflag:$0x4], $0x10, s2, s18, $0xb8;
	[tilespmem:$0x1AE00] =	vst v63  }
0x6b: {  	_ =	swait.ge [sflag:s15], $0x4000  }
0x6c: {  	[sflag:s15] =	ssyncset.done $0x0  }
0x6d: {  	[sflag:s15] =	ssyncadd.s32 $0xFFFFC000  }
0x6e: {  	[spmem:s4] =	stream.indirect.scatter.add.f32 [tilespmem:s22], [sflag:$0x3], $0x10, s2, s18, $0xb8;
	[tilespmem:$0x1AE00] =	vst v63  }
0x6f: {  	_ =	swait.ge [sflag:s20], $0x4000  }
0x70: {  	[sflag:s20] =	ssyncset.done $0x0  }
0x71: {  	s13 =	simm.s32 $0x1400;
	[sflag:s20] =	ssyncadd.s32 $0xFFFFC000  }
0x72: {  	[tilespmem:s21], [sflag:$0x2] =	stream.indirect.gather [spmem:s1], $0x10, s13, s18, $0xb8;
	[tilespmem:$0x1AE00] =	vst v63  }
0x73: {  	_ = 	snop  }
0x74: {  	[spmem:s3] =	stream.indirect.scatter.add.f32 [tilespmem:s19], [sflag:$0x4], $0x10, s26, s18, $0xb8;
	[tilespmem:$0x1AE00] =	vst v63  }
0x75: {  	_ =	swait.ge [sflag:s15], $0x4000  }
0x76: {  	[sflag:s15] =	ssyncset.done $0x0  }
0x77: {  	[sflag:s15] =	ssyncadd.s32 $0xFFFFC000  }
0x78: {  	[spmem:s4] =	stream.indirect.scatter.add.f32 [tilespmem:s22], [sflag:$0x3], $0x10, s26, s18, $0xb8;
	[tilespmem:$0x1AE00] =	vst v63  }
0x79: {  	_ =	swait.ge [sflag:s25], $0x4000  }
0x7a: {  	[sflag:s25] =	ssyncset.done $0x0  }
0x7b: {  	s16 =	simm.s32 $0x1800;
	[sflag:s25] =	ssyncadd.s32 $0xFFFFC000  }
0x7c: {  	[tilespmem:s19], [sflag:$0x1] =	stream.indirect.gather [spmem:s1], $0x10, s16, s18, $0xb8;
	[tilespmem:$0x1AE00] =	vst v63  }
0x7d: {  	_ = 	snop  }
0x7e: {  	[spmem:s3] =	stream.indirect.scatter.add.f32 [tilespmem:s21], [sflag:$0x4], $0x10, s31, s18, $0xb8;
	[tilespmem:$0x1AE00] =	vst v63  }
0x7f: {  	_ =	swait.ge [sflag:s15], $0x4000  }
0x80: {  	[sflag:s15] =	ssyncset.done $0x0  }
0x81: {  	[sflag:s15] =	ssyncadd.s32 $0xFFFFC000  }
0x82: {  	[spmem:s4] =	stream.indirect.scatter.add.f32 [tilespmem:s22], [sflag:$0x3], $0x10, s31, s18, $0xb8;
	[tilespmem:$0x1AE00] =	vst v63  }
0x83: {  	_ =	swait.ge [sflag:s20], $0x4000  }
0x84: {  	[sflag:s20] =	ssyncset.done $0x0  }
0x85: {  	s13 =	simm.s32 $0x1C00;
	[sflag:s20] =	ssyncadd.s32 $0xFFFFC000  }
0x86: {  	[tilespmem:s21], [sflag:$0x2] =	stream.indirect.gather [spmem:s1], $0x10, s13, s18, $0xb8;
	[tilespmem:$0x1AE00] =	vst v63  }
0x87: {  	_ = 	snop  }
0x88: {  	[spmem:s3] =	stream.indirect.scatter.add.f32 [tilespmem:s19], [sflag:$0x4], $0x10, s29, s18, $0xb8;
	[tilespmem:$0x1AE00] =	vst v63  }
0x89: {  	_ =	swait.ge [sflag:s15], $0x4000  }
0x8a: {  	[sflag:s15] =	ssyncset.done $0x0  }
0x8b: {  	[sflag:s15] =	ssyncadd.s32 $0xFFFFC000  }
0x8c: {  	[spmem:s4] =	stream.indirect.scatter.add.f32 [tilespmem:s22], [sflag:$0x3], $0x10, s29, s18, $0xb8;
	[tilespmem:$0x1AE00] =	vst v63  }
0x8d: {  	_ =	swait.ge [sflag:s25], $0x4000  }
0x8e: {  	[sflag:s25] =	ssyncset.done $0x0  }
0x8f: {  	s16 =	simm.s32 $0x2000;
	[sflag:s25] =	ssyncadd.s32 $0xFFFFC000  }
0x90: {  	[tilespmem:s19], [sflag:$0x1] =	stream.indirect.gather [spmem:s1], $0x10, s16, s18, $0xb8;
	[tilespmem:$0x1AE00] =	vst v63  }
0x91: {  	_ = 	snop  }
0x92: {  	[spmem:s3] =	stream.indirect.scatter.add.f32 [tilespmem:s21], [sflag:$0x4], $0x10, s0, s18, $0xb8;
	[tilespmem:$0x1AE00] =	vst v63  }
0x93: {  	_ =	swait.ge [sflag:s15], $0x4000  }
0x94: {  	[sflag:s15] =	ssyncset.done $0x0  }
0x95: {  	[sflag:s15] =	ssyncadd.s32 $0xFFFFC000  }
0x96: {  	[spmem:s4] =	stream.indirect.scatter.add.f32 [tilespmem:s22], [sflag:$0x3], $0x10, s0, s18, $0xb8;
	[tilespmem:$0x1AE00] =	vst v63  }
0x97: {  	_ =	swait.ge [sflag:s20], $0x4000  }
0x98: {  	[sflag:s20] =	ssyncset.done $0x0  }
0x99: {  	s13 =	simm.s32 $0x2400;
	[sflag:s20] =	ssyncadd.s32 $0xFFFFC000  }
0x9a: {  	[tilespmem:s21], [sflag:$0x2] =	stream.indirect.gather [spmem:s1], $0x10, s13, s18, $0xb8;
	[tilespmem:$0x1AE00] =	vst v63  }
0x9b: {  	_ = 	snop  }
0x9c: {  	[spmem:s3] =	stream.indirect.scatter.add.f32 [tilespmem:s19], [sflag:$0x4], $0x10, s6, s18, $0xb8;
	[tilespmem:$0x1AE00] =	vst v63  }
0x9d: {  	_ =	swait.ge [sflag:s15], $0x4000  }
0x9e: {  	[sflag:s15] =	ssyncset.done $0x0  }
0x9f: {  	[sflag:s15] =	ssyncadd.s32 $0xFFFFC000  }
0xa0: {  	[spmem:s4] =	stream.indirect.scatter.add.f32 [tilespmem:s22], [sflag:$0x3], $0x10, s6, s18, $0xb8;
	[tilespmem:$0x1AE00] =	vst v63  }
0xa1: {  	_ =	swait.ge [sflag:s25], $0x4000  }
0xa2: {  	[sflag:s25] =	ssyncset.done $0x0  }
0xa3: {  	[sflag:s25] =	ssyncadd.s32 $0xFFFFC000  }
0xa4: {  	[spmem:s3] =	stream.indirect.scatter.add.f32 [tilespmem:s21], [sflag:$0x4], $0x10, s7, s18, $0xb8;
	[tilespmem:$0x1AE00] =	vst v63  }
0xa5: {  	_ =	swait.ge [sflag:s15], $0x4000  }
0xa6: {  	[sflag:s15] =	ssyncset.done $0x0  }
0xa7: {  	[sflag:s15] =	ssyncadd.s32 $0xFFFFC000  }
0xa8: {  	[spmem:s4] =	stream.indirect.scatter.add.f32 [tilespmem:s22], [sflag:$0x3], $0x10, s7, s18, $0xb8;
	[tilespmem:$0x1AE00] =	vst v63  }
0xa9: {  	_ =	swait.ge [sflag:s8], $0x4000  }
0xaa: {  	[sflag:s8] =	ssyncset.done $0x0  }
0xab: {  	[sflag:s8] =	ssyncadd.s32 $0xFFFFC000  }
0xac: {  	_ =	swait.ge [sflag:s8], $0x4000  }
0xad: {  	[sflag:s8] =	ssyncset.done $0x0  }
0xae: {  	[sflag:s8] =	ssyncadd.s32 $0xFFFFC000  }
0xaf: {  	_ =	swait.ge [sflag:s8], $0x4000  }
0xb0: {  	[sflag:s8] =	ssyncset.done $0x0  }
0xb1: {  	[sflag:s8] =	ssyncadd.s32 $0xFFFFC000  }
0xb2: {  	_ =	swait.ge [sflag:s8], $0x4000  }
0xb3: {  	[sflag:s8] =	ssyncset.done $0x0  }
0xb4: {  	[sflag:s8] =	ssyncadd.s32 $0xFFFFC000  }
0xb5: {  	_ =	swait.ge [sflag:s8], $0x4000  }
0xb6: {  	[sflag:s8] =	ssyncset.done $0x0  }
0xb7: {  	[sflag:s8] =	ssyncadd.s32 $0xFFFFC000  }
0xb8: {  	_ =	swait.ge [sflag:s8], $0x4000  }
0xb9: {  	[sflag:s8] =	ssyncset.done $0x0  }
0xba: {  	[sflag:s8] =	ssyncadd.s32 $0xFFFFC000  }
0xbb: {  	_ =	swait.ge [sflag:s8], $0x4000  }
0xbc: {  	[sflag:s8] =	ssyncset.done $0x0  }
0xbd: {  	[sflag:s8] =	ssyncadd.s32 $0xFFFFC000  }
0xbe: {  	_ =	swait.ge [sflag:s8], $0x4000  }
0xbf: {  	[sflag:s8] =	ssyncset.done $0x0  }
0xc0: {  	[sflag:s8] =	ssyncadd.s32 $0xFFFFC000  }
0xc1: {  	_ =	swait.ge [sflag:s8], $0x4000  }
0xc2: {  	[sflag:s8] =	ssyncset.done $0x0  }
0xc3: {  	[sflag:s8] =	ssyncadd.s32 $0xFFFFC000  }
0xc4: {  	_ =	swait.ge [sflag:s8], $0x4000  }
0xc5: {  	[sflag:s8] =	ssyncset.done $0x0  }
0xc6: {  	[sflag:s8] =	ssyncadd.s32 $0xFFFFC000  }
0xc7: {  	[bflag:$0x0] =	sbarrier.arrive $0xFFFF  }
0xc8: {  	[tilespmem:s14], [sflag:$0x4] =	stream.linear.gather [spmem:s10], $0x2780, $0x38;
	[tilespmem:$0x1AE00] =	vst v63  }
0xc9: {  	_ =	swait.ge [sflag:s15], $0x2780  }
0xca: {  	[sflag:s15] =	ssyncset.done $0x0  }
0xcb: {  	[sflag:s15] =	ssyncadd.s32 $0xFFFFD880  }
0xcc: {  	[hbm4b:s23+s5] =	stream.linear.scatter [tilespmem:s14], [sflag:$0x4], $0x2780, $0x38;
	[tilespmem:$0x1AE00] =	vst v63  }
0xcd: {  	_ =	swait.ge [sflag:s15], $0x2780  }
0xce: {  	[sflag:s15] =	ssyncset.done $0x0  }
0xcf: {  	[sflag:s15] =	ssyncadd.s32 $0xFFFFD880  }
0xd0: {  	[tilespmem:s14], [sflag:$0x4] =	stream.linear.gather [spmem:s11], $0x2780, $0x38;
	[tilespmem:$0x1AE00] =	vst v63  }
0xd1: {  	_ =	swait.ge [sflag:s15], $0x2780  }
0xd2: {  	[sflag:s15] =	ssyncset.done $0x0  }
0xd3: {  	[sflag:s15] =	ssyncadd.s32 $0xFFFFD880  }
0xd4: {  	[hbm4b:s24+s5] =	stream.linear.scatter [tilespmem:s14], [sflag:$0x4], $0x2780, $0x38;
	[tilespmem:$0x1AE00] =	vst v63  }
0xd5: {  	_ =	swait.ge [sflag:s15], $0x2780  }
0xd6: {  	s9 =	sadd.s32 $0x1, s9;
	s16 =	rddreg [dreg:$0xb]  }
0xd7: {  	p1 =	sne.s32 s9, s16  }
.Ltmp2:
0xd8: {  	_ = 	snop;
	(pc) =	sbr.rel @p1 .LBB2_1-.Ltmp2, $3  }
0xd9: {  	_ =	sdelay $0x1  }
0xda: {  	[sflag:s15] =	ssyncset.done $0x0  }
0xdb: {  	[sflag:s15] =	ssyncadd.s32 $0xFFFFD880  }
0xdc: {  	_ =	sfence.sel $0x180000  }
0xdd: {  	[bflag:$0x0] =	sbarrier.arrive $0xFFFF  }
0xde: {  	_ =	strace $0x90000047  }
0xdf: {  	s0 =	stileid.u32;
	[bflag:$0x2] =	sbarrier.arrive $0xFFFF  }
0xe0: {  	p0 =	sne.s32 s0, $0x0;
	s0 =	rddreg [dreg:$0x5]  }
0xe1: {  	s0 =	sadd.s32 @!p0 $0x100000, s0  }
0xe2: {  	[sflag:s0] =	ssyncadd.tile.s32 @!p0 $0x1;
	_ =	shalt  }
.Lfunc_end2:
_tile_overlayer_lowered:
.L_overlay_start_2:
0xe3: {  	(tag) =	ssettag $0x2  }
0xe4: {  	s0 =	rddreg [dreg:$0x0];
	s2 =	stileid.u32  }
0xe5: {  	s1 =	rddreg [dreg:$0x1];
	p0 =	sne.s32 s2, $0x0  }
0xe6: {  	s3 =	rddreg [dreg:$0x2];
	[bflag:$0x3] =	sbarrier.arrive $0xFFFF;
	s2 =	simm.s32 @!p0 $0x1C04  }
0xe7: {  	[timem:s3], [sflag:s2] =	dma.local @!p0 [hbm:s0], s1  }
0xe8: {  	s0 =	simm.s32 @!p0 $0x4  }
0xe9: {  	_ =	swait.ge @!p0 [sflag:s0], s1  }
0xea: {  	s1 =	ssub.s32 @!p0 $0x0, s1;
	[sflag:s0] =	ssyncset.done @!p0 $0x0  }
0xeb: {  	[sflag:s0] =	ssyncadd.s32 @!p0 s1  }
0xec: {  	[bflag:$0x3] =	sbarrier.arrive $0xFFFF  }
0xed: {  	_ =	shalt  }

// kernel: kernel.9.cloned.1.call-start
scs
__scs_entry_jumppad:
0x0: {  	(pc) =	sbr.rel $0x88, $3  }
0x1: {  	(tag) =	ssettag $0x0;
	lr =	simm.s32 $0x1  }
0x2: {  	[smem:$0x3F97] =	sst lr;
	_ =	strace $0xD0000000  }
0x3: {  	_ = 	snop  }
0x4: {  	_ = 	snop  }
0x5: {  	_ = 	snop  }
0x6: {  	_ = 	snop  }
0x7: {  	_ = 	snop  }
__scs_overlays_trampoline_lowered:
0x8: {  	[smem:$0x3FA6] =	sst s0  }
0x9: {  	[smem:$0x3FA7] =	sst s1  }
0xa: {  	[smem:$0x3FA8] =	sst s2  }
0xb: {  	[smem:$0x3FA9] =	sst s3  }
0xc: {  	[smem:$0x3FAA] =	sst s4  }
0xd: {  	[smem:$0x3FAB] =	sst s5  }
0xe: {  	[smem:$0x3FAC] =	sst s6  }
0xf: {  	[smem:$0x3FAD] =	sst s7  }
0x10: {  	[smem:$0x3FAE] =	sst s8  }
0x11: {  	[smem:$0x3FAF] =	sst s9;
	s0 =	simm.s32 @!p0 $0x0  }
0x12: {  	s1 =	sld [smem:$0x3F95];
	s0 =	simm.s32 @p0 $0x1  }
0x13: {  	[smem:$0x3FB0] =	sst s0;
	s0 =	simm.s32 @!p1 $0x0  }
0x14: {  	s2 =	sld [smem:$0x3F94];
	s0 =	simm.s32 @p1 $0x1  }
0x15: {  	[smem:$0x3FB1] =	sst s0;
	s0 =	simm.s32 @!p2 $0x0  }
0x16: {  	s3 =	sld [smem:$0x3FDB];
	s0 =	simm.s32 @p2 $0x1  }
0x17: {  	s4 =	simm.s32 $0x1BF5;
	[smem:$0x3FB3] =	sst s0  }
0x18: {  	s0 =	sld [smem:$0x3F96];
	_ =	swait.ge [sflag:s4], $0x0  }
0x19: {  	s7 =	sld [smem:$0x3F97]  }
0x1a: {  	s8 =	sadd.s32 $0xFFFFE003, lr  }
0x1b: {  	s9 =	sadd.s32 $0xFFFFFEF7, lr;
	s5 =	simm.s32 $0xFFFFFFFF;
	p2 =	slt.u32 s8, $0xFFFFF086  }
0x1c: {  	p1 =	slt.u32 s9, $0xF7A;
	s5 =	simm.s32 @!p2 $0x0  }
0x1d: {  	s5 =	simm.s32 @p1 $0x1;
	p0 =	seq.s32 s7, s2  }
0x1e: {  	s7 =	smul.u32 @!p0 $0xF7A, s2;
	p2 =	seq.s32 @!p0 s5, $0x0  }
0x1f: {  	s9 =	smul.u32 $0xF7A, s1;
	s8 =	simm.s32 @!p0 $0x1BF5;
	p2 =	por !p2, p0  }
0x20: {  	[sflag:s8] =	ssyncset.s32 @!p0 $0xFFFFF086;
	s6 =	sadd.s32 @!p0 s3, s7;
	s7 =	simm.s32 @!p0 $0x108  }
0x21: {  	s3 =	sadd.s32 s3, s9;
	s6 =	sadd.s32 @!p0 $0x88, s6;
	s7 =	simm.s32 @p2 $0x1082  }
0x22: {  	[simem:s7], [sflag:s8] =	dma.local @!p0 [hbm:s6], $0xF7A  }
0x23: {  	s9 =	sor.u32 $0xD0000000, s2;
	s6 =	simm.s32 $0x108;
	_ =	swait.ge @!p0 [sflag:s8], $0x0  }
0x24: {  	s3 =	sadd.s32 $0x88, s3;
	s6 =	simm.s32 @!p1 $0x1082;
	[sflag:s4] =	ssyncset.s32 $0xFFFFF086  }
0x25: {  	[simem:s6], [sflag:s4] =	dma.local [hbm:s3], $0xF7A  }
0x26: {  	[smem:$0x3F97] =	sst s1;
	(tag) =	ssettag s2;
	_ =	strace s9  }
0x27: {  	s1 =	sld [smem:$0x3FA7]  }
0x28: {  	s2 =	sld [smem:$0x3FA8]  }
0x29: {  	s4 =	sld [smem:$0x3FAA]  }
0x2a: {  	p0 =	seq.s32 s5, $0x0;
	s5 =	sld [smem:$0x3FAB]  }
0x2b: {  	s6 =	sld [smem:$0x3FAC]  }
0x2c: {  	s7 =	sld [smem:$0x3FAD]  }
0x2d: {  	s3 =	simm.s32 $0x108;
	s8 =	sld [smem:$0x3FAE]  }
0x2e: {  	s3 =	simm.s32 @!p0 $0x1082;
	s9 =	sld [smem:$0x3FAF]  }
0x2f: {  	lr =	sadd.s32 s0, s3;
	s0 =	sld [smem:$0x3FA6]  }
0x30: {  	s3 =	sld [smem:$0x3FA9]  }
0x31: {  	[smem:$0x3FB2] =	sst s10  }
0x32: {  	s10 =	sld [smem:$0x3FB0];
	_ =	sdelay $0x3  }
0x33: {  	p0 =	seq.s32 s10, $0x1;
	s10 =	sld [smem:$0x3FB2];
	_ =	sdelay $0x3  }
0x34: {  	[smem:$0x3FB2] =	sst s10  }
0x35: {  	s10 =	sld [smem:$0x3FB1];
	_ =	sdelay $0x3  }
0x36: {  	p1 =	seq.s32 s10, $0x1;
	s10 =	sld [smem:$0x3FB2];
	_ =	sdelay $0x3  }
0x37: {  	[smem:$0x3FB2] =	sst s10  }
0x38: {  	s10 =	sld [smem:$0x3FB3]  }
0x39: {  	_ = 	snop;
	(pc) =	sbr.ind lr, $3  }
0x3a: {  	_ = 	snop  }
0x3b: {  	_ = 	snop  }
0x3c: {  	p2 =	seq.s32 s10, $0x1;
	s10 =	sld [smem:$0x3FB2]  }
0x3d: {  	_ =	shalt  }
0x3e: {  	_ =	shalt  }
0x3f: {  	_ =	shalt  }
0x40: {  	_ =	shalt  }
0x41: {  	_ =	shalt  }
0x42: {  	_ =	shalt  }
0x43: {  	_ =	shalt  }
0x44: {  	_ =	shalt  }
0x45: {  	_ =	shalt  }
0x46: {  	_ =	shalt  }
0x47: {  	_ =	shalt  }
0x48: {  	_ =	shalt  }
0x49: {  	_ =	shalt  }
0x4a: {  	_ =	shalt  }
0x4b: {  	_ =	shalt  }
0x4c: {  	_ =	shalt  }
0x4d: {  	_ =	shalt  }
0x4e: {  	_ =	shalt  }
0x4f: {  	_ =	shalt  }
0x50: {  	_ =	shalt  }
0x51: {  	_ =	shalt  }
0x52: {  	_ =	shalt  }
0x53: {  	_ =	shalt  }
0x54: {  	_ =	shalt  }
0x55: {  	_ =	shalt  }
0x56: {  	_ =	shalt  }
0x57: {  	_ =	shalt  }
0x58: {  	_ =	shalt  }
0x59: {  	_ =	shalt  }
0x5a: {  	_ =	shalt  }
0x5b: {  	_ =	shalt  }
0x5c: {  	_ =	shalt  }
0x5d: {  	_ =	shalt  }
0x5e: {  	_ =	shalt  }
0x5f: {  	_ =	shalt  }
0x60: {  	_ =	shalt  }
0x61: {  	_ =	shalt  }
0x62: {  	_ =	shalt  }
0x63: {  	_ =	shalt  }
0x64: {  	_ =	shalt  }
0x65: {  	_ =	shalt  }
0x66: {  	_ =	shalt  }
0x67: {  	_ =	shalt  }
0x68: {  	_ =	shalt  }
0x69: {  	_ =	shalt  }
0x6a: {  	_ =	shalt  }
0x6b: {  	_ =	shalt  }
0x6c: {  	_ =	shalt  }
0x6d: {  	_ =	shalt  }
0x6e: {  	_ =	shalt  }
0x6f: {  	_ =	shalt  }
0x70: {  	_ =	shalt  }
0x71: {  	_ =	shalt  }
0x72: {  	_ =	shalt  }
0x73: {  	_ =	shalt  }
0x74: {  	_ =	shalt  }
0x75: {  	_ =	shalt  }
0x76: {  	_ =	shalt  }
0x77: {  	_ =	shalt  }
0x78: {  	_ =	shalt  }
0x79: {  	_ =	shalt  }
0x7a: {  	_ =	shalt  }
0x7b: {  	_ =	shalt  }
0x7c: {  	_ =	shalt  }
0x7d: {  	_ =	shalt  }
0x7e: {  	_ =	shalt  }
0x7f: {  	_ =	shalt  }
0x80: {  	_ =	shalt  }
0x81: {  	_ =	shalt  }
0x82: {  	_ =	shalt  }
0x83: {  	_ =	shalt  }
0x84: {  	_ =	shalt  }
0x85: {  	_ =	shalt  }
0x86: {  	_ =	shalt  }
0x87: {  	_ =	shalt  }
.Lfunc_end0:
.L_simem_size_0:
called_computation.1_lowered:
.L_overlay_start_0:
0x88: {  	s2 =	sld [smem:$0x3FD9]  }
0x89: {  	s3 =	sld [smem:$0x3FFE];
	_ =	sdelay $0x1  }
0x8a: {  	s1 =	srdreg.scid  }
0x8b: {  	s0 =	sand.u32 $0x1, s1  }
0x8c: {  	s17 =	sshll.u32 s0, $0xA;
	s2 =	sadd.s32 s3, s2  }
0x8d: {  	s2 =	sadd.s32 s2, s17  }
0x8e: {  	[smem:$0x3FBE] =	sst s2  }
0x8f: {  	_ = 	snop  }
0x90: {  	s2 =	sld [smem:$0x3FD0];
	(tm) =	ssettm $0x1  }
0x91: {  	s18 =	sld [smem:$0x3FFB];
	_ =	sdelay $0x3  }
0x92: {  	_ =	strace s18  }
0x93: {  	s3 =	sld [smem:$0x3FFC];
	_ =	sdelay $0x3  }
0x94: {  	_ =	strace s3  }
0x95: {  	s3 =	sld [smem:$0x3FFD];
	_ =	sdelay $0x3  }
0x96: {  	_ =	strace s3  }
0x97: {  	_ =	strace $0x8FFFFFFF  }
0x98: {  	s19 =	sld [smem:$0x3FDB];
	_ =	sdelay $0x1  }
0x99: {  	s4 =	simm.s32 $_scs_section_size  }
0x9a: {  	s5 =	simm.s32 $_size__tile_overlayer_lowered;
	s6 =	simm.s32 $_tile_overlayer_lowered  }
0x9b: {  	s22 =	simm.s32 $0x1BFF;
	s21 =	sshll.u32 s6, $0x1;
	s3 =	sadd.s32 s4, s19  }
0x9c: {  	s7 =	simm.s32 $0x0;
	s20 =	sshll.u32 s5, $0x1;
	s5 =	sadd.s32 s21, s3  }
0x9d: {  	[timem:s7], [sflag:s22] =	dma.local [hbm:s5], s20  }
0x9e: {  	_ =	swait.ge [sflag:s22], s20  }
0x9f: {  	s4 =	ssub.s32 $0x0, s20;
	[sflag:s22] =	ssyncset.done $0x0  }
0xa0: {  	[sflag:s22] =	ssyncadd.s32 s4;
	_ =	sdelay $0x1  }
0xa1: {  	s23 =	simm.s32 $0x1B8B  }
0xa2: {  	_ =	swait.ge [sflag:s23], $0x1  }
0xa3: {  	[sflag:s23] =	ssyncset.done $0x0  }
0xa4: {  	s25 =	simm.s32 $0x1B8E;
	s24 =	sld [smem:$0x3FFE];
	[sflag:s23] =	ssyncadd.s32 $0xFFFFFFFF  }
0xa5: {  	s26 =	simm.s32 $execute0_lowered;
	[smem:$0x3FD2] =	sst s25  }
0xa6: {  	s5 =	sshll.u32 s26, $0x1;
	_ =	strace $0x80000049;
	[dreg:$0x1] =	wrdreg $0xFFFFFFFF  }
0xa7: {  	s28 =	simm.s32 $_size_execute0_lowered;
	s3 =	sadd.s32 s3, s5;
	[dreg:$0x0] =	wrdreg $0x0  }
0xa8: {  	s5 =	sshll.u32 s28, $0x1;
	[dreg:$0x2] =	wrdreg s3  }
0xa9: {  	[dreg:$0x3] =	wrdreg s5  }
0xaa: {  	[dreg:$0x4] =	wrdreg $0xC0  }
0xab: {  	_ =	task [dreg:s7], $0x5FFFF  }
0xac: {  	[dreg:$0x1] =	wrdreg $0xFFFFFFFF  }
0xad: {  	[dreg:$0x0] =	wrdreg $0x60  }
0xae: {  	[dreg:$0x2] =	wrdreg s24  }
0xaf: {  	[dreg:$0x3] =	wrdreg s2  }
0xb0: {  	[dreg:$0x4] =	wrdreg $0x1BD000  }
0xb1: {  	[dreg:$0x5] =	wrdreg $0x195800  }
0xb2: {  	[dreg:$0x6] =	wrdreg $0x9  }
0xb3: {  	_ =	task.clear_ibuf [dreg:s7], $0x7FFFF;
	_ =	strace $0x90000049  }
0xb4: {  	s29 =	simm.s32 $0x9;
	_ =	strace $0x8000004B  }
0xb5: {  	_ =	swait.ge [sflag:s29], $0x1  }
0xb6: {  	[sflag:s29] =	ssyncadd.s32 $0xFFFFFFFF  }
0xb7: {  	_ =	strace $0x9000004B  }
0xb8: {  	_ =	sfence  }
0xb9: {  	s30 =	sld [smem:$0x0];
	_ =	sdelay $0x2  }
0xba: {  	s31 =	sshll.u32 s1, $0xD;
	s1 =	sshrl.u32 s1, $0x2  }
0xbb: {  	s3 =	sand.u32 $0x4000, s31;
	s1 =	sadd.s32 s1, s30  }
0xbc: {  	s0 =	sor.u32 s3, s0;
	s1 =	sshll.u32 s1, $0x11  }
0xbd: {  	s0 =	sor.u32 s1, s0  }
0xbe: {  	s0 =	sadd.s32 $0x8F2B, s0  }
0xbf: {  	[sflag:s0] =	ssyncadd.remote.s32 $0x1  }
0xc0: {  	_ =	sfence.sel $0xFFFF  }
0xc1: {  	[dreg:$0x0] =	wrdreg $0xFFFFFFFF;
	(pc) =	sbr.abs _section_cstart, $3  }
0xc2: {  	[dreg:$0x1] =	wrdreg $0xFFFFFFFF  }
0xc3: {  	_ =	task.clear_ibuf [dreg:s7], $0x2FFFF;
	_ =	strace $0x9FFFFFFF  }
0xc4: {  	(tm) =	ssettm $0x7FFFFFFF  }
0xc5: {  	_ =	shalt  }
tec
execute0_lowered:
.L_overlay_start_1:
0x0: {  	(tag) =	ssettag $0x1  }
0x1: {  	s0 =	rddreg [dreg:$0x0]  }
0x2: {  	s1 =	rddreg [dreg:$0x1]  }
0x3: {  	s3 =	srdreg.scid;
	s13 =	stileid.u32  }
0x4: {  	s2 =	rddreg [dreg:$0x2];
	s17 =	simm.s32 $0xF780;
	s18 =	simm.s32 $0x11F00  }
0x5: {  	s19 =	simm.s32 $0x14680;
	s28 =	simm.s32 $0x5000;
	s29 =	simm.s32 $0x9000  }
0x6: {  	s30 =	simm.s32 $0x2;
	s6 =	sand.u32 $0x1, s3;
	s4 =	sshll.u32 s13, $0x1  }
0x7: {  	s3 =	rddreg [dreg:$0x3];
	s8 =	smul.u32 $0x2780, s13;
	p0 =	seq.s32 s13, $0xF  }
0x8: {  	s26 =	sadd.s32 $0x2EC10, s0;
	s13 =	sadd.s32 $0x25080, s2;
	s5 =	sor.u32 s6, s4  }
0x9: {  	s4 =	simm.s32 $0x0;
	s11 =	ssub.s32 $0x2, s6;
	s6 =	smul.u32 $0x4F00, s6  }
0xa: {  	s7 =	smul.u32 $0x500, s5;
	[smem:$0x7FF] =	sst s4;
	s10 =	sshrl.u32 s8, $0x3  }
0xb: {  	s12 =	sshrl.u32 s11, $0x1;
	s5 =	simm.s32 $0x208;
	s31 =	sadd.s32 s8, s2  }
0xc: {  	s14 =	sadd.s32 s8, s3;
	_ =	strace $0x8000004A;
	s20 =	sadd.s32 s10, s0  }
0xd: {  	s11 =	ssub.s32 s11, s12;
	s5 =	simm.s32 @!p0 $0x278;
	[dreg:$0xa] =	wrdreg s26  }
0xe: {  	[dreg:$0xb] =	wrdreg s31;
	s1 =	sadd.s32 s1, s6;
	s21 =	sadd.s32 $0x16600, s20  }
0xf: {  	s26 =	simm.s32 $0x400;
	s22 =	sadd.s32 $0x1B500, s20;
	[dreg:$0x5] =	wrdreg s21  }
0x10: {  	s9 =	sadd.s32 s7, s0;
	s23 =	sadd.s32 $0x20400, s20;
	[dreg:$0x6] =	wrdreg s22  }
0x11: {  	s24 =	sadd.s32 $0x25300, s20;
	s25 =	sadd.s32 $0x2A200, s20;
	[dreg:$0x7] =	wrdreg s23  }
0x12: {  	s0 =	sadd.s32 $0xC600, s0;
	s16 =	smax.u32 s11, $0x1;
	[dreg:$0x8] =	wrdreg s24  }
0x13: {  	s20 =	simm.s32 $0x16E00;
	[dreg:$0x9] =	wrdreg s25;
	s15 =	sadd.s32 $0x2600, s9  }
0x14: {  	s21 =	simm.s32 $0x1;
	s22 =	sadd.s32 s7, s0;
	s23 =	simm.s32 $0x3  }
0x15: {  	v0 =	vimm.f32 $0.0e+00;
	s24 =	sadd.s32 s10, s1;
	s25 =	simm.s32 $0x2800;
	s0 =	simm.s32 $0x0  }
.LBB2_1:
0x16: {  	s1 =	rddreg [dreg:$0x5]  }
0x17: {  	[tilespmem:s17], [sflag:$0x1] =	stream.linear.gather [hbm4b:s1+s4], $0x2780, $0x38;
	[tilespmem:$0x1E480] =	vst v63  }
0x18: {  	s10 =	rddreg [dreg:$0x6]  }
0x19: {  	[tilespmem:s18], [sflag:$0x1] =	stream.linear.gather [hbm4b:s10+s4], $0x2780, $0x38;
	[tilespmem:$0x1E480] =	vst v63  }
0x1a: {  	s11 =	rddreg [dreg:$0x7]  }
0x1b: {  	[tilespmem:s19], [sflag:$0x1] =	stream.linear.gather [hbm4b:s11+s4], $0x2780, $0x38;
	[tilespmem:$0x1E480] =	vst v63  }
0x1c: {  	s12 =	rddreg [dreg:$0x8]  }
0x1d: {  	[tilespmem:s20], [sflag:$0x1] =	stream.linear.gather [hbm4b:s12+s4], $0x2780, $0x38;
	[tilespmem:$0x1E480] =	vst v63  }
0x1e: {  	s6 =	simm.s32 @p0 $0x0;
	s7 =	rddreg [dreg:$0xa];
	s1 =	simm.s32 @p0 $0xD000  }
0x1f: {  	[tilespmem:s1], [sflag:$0x2] =	stream.linear.gather @p0 [hbm4b:s7+s6], $0x2080, $0x38;
	[tilespmem:$0x1E480] =	vst v63  }
0x20: {  	s31 =	simm.s32 @!p0 $0xD000;
	s6 =	simm.s32 @!p0 $0x0;
	s7 =	rddreg [dreg:$0x9]  }
0x21: {  	[tilespmem:s31], [sflag:$0x2] =	stream.linear.gather @!p0 [hbm4b:s7+s6], $0x2780, $0x38;
	[tilespmem:$0x1E480] =	vst v63  }
0x22: {  	_ =	swait.ge [sflag:s21], $0x2780  }
0x23: {  	[sflag:s21] =	ssyncset.done $0x0  }
0x24: {  	[sflag:s21] =	ssyncadd.s32 $0xFFFFD880  }
0x25: {  	_ =	swait.ge [sflag:s21], $0x2780  }
0x26: {  	[sflag:s21] =	ssyncset.done $0x0  }
0x27: {  	[sflag:s21] =	ssyncadd.s32 $0xFFFFD880  }
0x28: {  	_ =	swait.ge [sflag:s21], $0x2780  }
0x29: {  	[sflag:s21] =	ssyncset.done $0x0  }
0x2a: {  	[sflag:s21] =	ssyncadd.s32 $0xFFFFD880  }
0x2b: {  	_ =	swait.ge [sflag:s21], $0x2780  }
0x2c: {  	[sflag:s21] =	ssyncset.done $0x0  }
0x2d: {  	s6 =	simm.s32 @p0 $0x2;
	[sflag:s21] =	ssyncadd.s32 $0xFFFFD880  }
0x2e: {  	_ =	swait.ge @p0 [sflag:s6], $0x2080  }
0x2f: {  	[sflag:s6] =	ssyncset.done @p0 $0x0  }
0x30: {  	p2 =	sne.s32 s5, $0x1;
	[sflag:s6] =	ssyncadd.s32 @p0 $0xFFFFDF80;
	s6 =	simm.s32 @!p0 $0x2  }
.Ltmp0:
0x31: {  	_ =	swait.ge @!p0 [sflag:s6], $0x2780;
	(pc) =	sbr.rel @!p2 .LBB2_2-.Ltmp0, $4  }
0x32: {  	[sflag:s6] =	ssyncset.done @!p0 $0x0  }
0x33: {  	[sflag:s6] =	ssyncadd.s32 @!p0 $0xFFFFD880  }
0x34: {  	v1 =	vld [tilespmem:s20+$0x0]  }
0x35: {  	p1 =	por $0x0, $0x0;
	s7 =	sadd.s32 $0xFFFFFFFF, s5;
	s6 =	simm.s32 $0xD000;
	v2 =	vld [tilespmem:s19+$0x0]  }
0x36: {  	_ =	sdelay $0x3  }
0x37: {  	v1 =	vadd.f32 v1, v2;
	_ =	sdelay $0x1  }
0x38: {  	v1 =	vmax.f32 v1, $1.000000000e+00  }
0x39: {  	(erf) = vrcp.f32 v1;
	_ =	sdelay $0x1  }
0x3a: {  	v2 =	vld [tilespmem:s18+$0x0]  }
0x3b: {  	v1 =	vld [tilespmem:s17+$0x0];
	_ =	sdelay $0x3  }
0x3c: {  	v3 =	vld [tilespmem:s6+$0x0]  }
0x3d: {  	v1 =	vadd.f32 v2, v1  }
0x3e: {  	v2 =	vpop (erf)  }
0x3f: {  	v1 =	vmul.f32 v1, v2;
	_ =	sdelay $0x1  }
0x40: {  	p2 =	sne.s32 s7, $0x1;
	v1 =	vadd.f32 v1, v3  }
.Ltmp1:
0x41: {  	_ = 	snop;
	(pc) =	sbr.rel @!p2 .LBB2_4-.Ltmp1, $4  }
0x42: {  	v1 =	vmax.f32 v1, $0.0e+00  }
0x43: {  	s10 =	simm.s32 $0x16E10;
	[tilespmem:s6+$0x0] =	vst v1  }
0x44: {  	s11 =	simm.s32 $0x14690;
	s12 =	sadd.s32 $0xFFFFFFFF, s7;
	p1 =	por $0x1, $0x1;
	v1 =	vld [tilespmem:s10+$0x0]  }
0x45: {  	s8 =	simm.s32 $0xF780;
	s9 =	simm.s32 $0x11F00;
	s7 =	simm.s32 $0xD000;
	v2 =	vld [tilespmem:s11+$0x0]  }
.LBB2_5:
0x46: {  	p2 =	sne.s32 s12, $0x1;
	_ =	sdelay $0x3  }
0x47: {  	v1 =	vadd.f32 v1, v2;
	_ =	sdelay $0x1  }
0x48: {  	v1 =	vmax.f32 v1, $1.000000000e+00  }
0x49: {  	(erf) = vrcp.f32 v1  }
0x4a: {  	s8 =	sadd.s32 $0x10, s8  }
0x4b: {  	s9 =	sadd.s32 $0x10, s9;
	v1 =	vld [tilespmem:s8+$0x0]  }
0x4c: {  	v2 =	vld [tilespmem:s9+$0x0];
	_ =	sdelay $0x2  }
0x4d: {  	s7 =	sadd.s32 $0x10, s7  }
0x4e: {  	v3 =	vld [tilespmem:s7+$0x0]  }
0x4f: {  	v1 =	vadd.f32 v2, v1  }
0x50: {  	v2 =	vpop (erf)  }
0x51: {  	v1 =	vmul.f32 v1, v2;
	_ =	sdelay $0x1  }
0x52: {  	v1 =	vadd.f32 v1, v3  }
.Ltmp2:
0x53: {  	(pc) =	sbr.rel @p2 .LBB2_5-.Ltmp2, $4  }
0x54: {  	v1 =	vmax.f32 v1, $0.0e+00  }
0x55: {  	s10 =	sadd.s32 $0x10, s10;
	[tilespmem:s7+$0x0] =	vst v1  }
0x56: {  	s11 =	sadd.s32 $0x10, s11;
	v1 =	vld [tilespmem:s10+$0x0]  }
0x57: {  	s12 =	sadd.s32 $0xFFFFFFFF, s12;
	v2 =	vld [tilespmem:s11+$0x0]  }
.LBB2_6:
0x58: {  	_ =	sdelay $0x3  }
0x59: {  	v1 =	vadd.f32 v1, v2;
	_ =	sdelay $0x1  }
0x5a: {  	s8 =	sadd.s32 @p1 $0x10, s8;
	s10 =	simm.s32 $0xF780;
	v1 =	vmax.f32 v1, $1.000000000e+00  }
0x5b: {  	s10 =	smov.u32 @p1 s8;
	s8 =	sadd.s32 @p1 $0x10, s9;
	s9 =	simm.s32 $0x11F00;
	(erf) = vrcp.f32 v1  }
0x5c: {  	s9 =	smov.u32 @p1 s8  }
0x5d: {  	v2 =	vld [tilespmem:s9+$0x0]  }
0x5e: {  	v1 =	vld [tilespmem:s10+$0x0];
	_ =	sdelay $0x1  }
0x5f: {  	s7 =	sadd.s32 @p1 $0x10, s7  }
0x60: {  	s6 =	smov.u32 @p1 s7  }
0x61: {  	v3 =	vld [tilespmem:s6+$0x0]  }
0x62: {  	v1 =	vadd.f32 v2, v1  }
0x63: {  	v2 =	vpop (erf)  }
0x64: {  	v1 =	vmul.f32 v1, v2;
	_ =	sdelay $0x1  }
0x65: {  	v1 =	vadd.f32 v1, v3;
	_ =	sdelay $0x1  }
0x66: {  	v1 =	vmax.f32 v1, $0.0e+00  }
0x67: {  	[tilespmem:s6+$0x0] =	vst v1  }
0x68: {  	[spmem:s13] =	stream.linear.scatter @p0 [tilespmem:s1], [sflag:$0x3], $0x2080, $0x38;
	[tilespmem:$0x1E480] =	vst v63  }
0x69: {  	s1 =	simm.s32 @p0 $0x3  }
0x6a: {  	_ =	swait.ge @p0 [sflag:s1], $0x2080  }
0x6b: {  	[sflag:s1] =	ssyncset.done @p0 $0x0  }
0x6c: {  	[sflag:s1] =	ssyncadd.s32 @p0 $0xFFFFDF80;
	s1 =	rddreg [dreg:$0xb]  }
0x6d: {  	[spmem:s1] =	stream.linear.scatter @!p0 [tilespmem:s31], [sflag:$0x3], $0x2780, $0x38;
	[tilespmem:$0x1E480] =	vst v63  }
0x6e: {  	s1 =	simm.s32 @!p0 $0x3  }
0x6f: {  	_ =	swait.ge @!p0 [sflag:s1], $0x2780  }
0x70: {  	[sflag:s1] =	ssyncset.done @!p0 $0x0  }
0x71: {  	s6 =	simm.s32 $0x0;
	[sflag:s1] =	ssyncadd.s32 @!p0 $0xFFFFD880;
	s1 =	simm.s32 $0x40  }
.LBB2_7:
0x72: {  	p1 =	sne.s32 s1, $0x9DC0;
	[tilespmem:s6+$0xF780] =	vst v0;
	s6 =	smov.u32 s1;
	s1 =	sadd.s32 $0x40, s1  }
.Ltmp3:
0x73: {  	(pc) =	sbr.rel @p1 .LBB2_7-.Ltmp3, $2  }
0x74: {  	_ =	sdelay $0x2  }
0x75: {  	s6 =	sshra.s32 s6, $0x2  }
0x76: {  	[tilespmem:s6+$0xF780] =	vst v0  }
0x77: {  	[spmem:s14] =	stream.linear.scatter [tilespmem:s17], [sflag:$0x3], $0x2780, $0x38;
	[tilespmem:$0x1E480] =	vst v63  }
0x78: {  	_ =	swait.ge [sflag:s23], $0x2780  }
0x79: {  	[sflag:s23] =	ssyncset.done $0x0  }
0x7a: {  	[sflag:s23] =	ssyncadd.s32 $0xFFFFD880  }
0x7b: {  	[tilespmem:s4], [sflag:$0x3] =	stream.linear.gather [hbm4b:s15+s4], $0x2800, $0x38;
	[tilespmem:$0x1E480] =	vst v63  }
0x7c: {  	_ =	swait.ge [sflag:s23], $0x2800  }
0x7d: {  	[sflag:s23] =	ssyncset.done $0x0  }
0x7e: {  	[sflag:s23] =	ssyncadd.s32 $0xFFFFD800  }
0x7f: {  	[tilespmem:s25], [sflag:$0x3] =	stream.linear.gather [hbm4b:s22+s4], $0x2800, $0x38;
	[tilespmem:$0x1E480] =	vst v63  }
0x80: {  	_ =	swait.ge [sflag:s23], $0x2800  }
0x81: {  	[sflag:s23] =	ssyncset.done $0x0  }
0x82: {  	[sflag:s23] =	ssyncadd.s32 $0xFFFFD800  }
0x83: {  	[bflag:$0x0] =	sbarrier.arrive $0xFFFF  }
0x84: {  	[tilespmem:s28], [sflag:$0x1] =	stream.indirect.gather [spmem:s2], $0x10, s4, s26, $0xb8;
	[tilespmem:$0x1E480] =	vst v63  }
0x85: {  	_ =	swait.ge [sflag:s21], $0x4000  }
0x86: {  	[sflag:s21] =	ssyncset.done $0x0  }
0x87: {  	[sflag:s21] =	ssyncadd.s32 $0xFFFFC000  }
0x88: {  	[tilespmem:s29], [sflag:$0x2] =	stream.indirect.gather [spmem:s2], $0x10, s26, s26, $0xb8;
	[tilespmem:$0x1E480] =	vst v63  }
0x89: {  	_ = 	snop  }
0x8a: {  	[spmem:s3] =	stream.indirect.scatter.add.f32 [tilespmem:s28], [sflag:$0x3], $0x10, s25, s26, $0xb8;
	[tilespmem:$0x1E480] =	vst v63  }
0x8b: {  	_ =	swait.ge [sflag:s23], $0x4000  }
0x8c: {  	[sflag:s23] =	ssyncset.done $0x0  }
0x8d: {  	[sflag:s23] =	ssyncadd.s32 $0xFFFFC000  }
0x8e: {  	_ =	swait.ge [sflag:s30], $0x4000  }
0x8f: {  	[sflag:s30] =	ssyncset.done $0x0  }
0x90: {  	s1 =	simm.s32 $0x800;
	[sflag:s30] =	ssyncadd.s32 $0xFFFFC000  }
0x91: {  	[tilespmem:s28], [sflag:$0x1] =	stream.indirect.gather [spmem:s2], $0x10, s1, s26, $0xb8;
	[tilespmem:$0x1E480] =	vst v63  }
0x92: {  	s6 =	simm.s32 $0x2C00  }
0x93: {  	[spmem:s3] =	stream.indirect.scatter.add.f32 [tilespmem:s29], [sflag:$0x3], $0x10, s6, s26, $0xb8;
	[tilespmem:$0x1E480] =	vst v63  }
0x94: {  	_ =	swait.ge [sflag:s23], $0x4000  }
0x95: {  	[sflag:s23] =	ssyncset.done $0x0  }
0x96: {  	[sflag:s23] =	ssyncadd.s32 $0xFFFFC000  }
0x97: {  	_ =	swait.ge [sflag:s21], $0x4000  }
0x98: {  	[sflag:s21] =	ssyncset.done $0x0  }
0x99: {  	s7 =	simm.s32 $0xC00;
	[sflag:s21] =	ssyncadd.s32 $0xFFFFC000  }
0x9a: {  	[tilespmem:s29], [sflag:$0x2] =	stream.indirect.gather [spmem:s2], $0x10, s7, s26, $0xb8;
	[tilespmem:$0x1E480] =	vst v63  }
0x9b: {  	s8 =	simm.s32 $0x3000  }
0x9c: {  	[spmem:s3] =	stream.indirect.scatter.add.f32 [tilespmem:s28], [sflag:$0x3], $0x10, s8, s26, $0xb8;
	[tilespmem:$0x1E480] =	vst v63  }
0x9d: {  	_ =	swait.ge [sflag:s23], $0x4000  }
0x9e: {  	[sflag:s23] =	ssyncset.done $0x0  }
0x9f: {  	[sflag:s23] =	ssyncadd.s32 $0xFFFFC000  }
0xa0: {  	_ =	swait.ge [sflag:s30], $0x4000  }
0xa1: {  	[sflag:s30] =	ssyncset.done $0x0  }
0xa2: {  	s9 =	simm.s32 $0x1000;
	[sflag:s30] =	ssyncadd.s32 $0xFFFFC000  }
0xa3: {  	[tilespmem:s28], [sflag:$0x1] =	stream.indirect.gather [spmem:s2], $0x10, s9, s26, $0xb8;
	[tilespmem:$0x1E480] =	vst v63  }
0xa4: {  	s10 =	simm.s32 $0x3400  }
0xa5: {  	[spmem:s3] =	stream.indirect.scatter.add.f32 [tilespmem:s29], [sflag:$0x3], $0x10, s10, s26, $0xb8;
	[tilespmem:$0x1E480] =	vst v63  }
0xa6: {  	_ =	swait.ge [sflag:s23], $0x4000  }
0xa7: {  	[sflag:s23] =	ssyncset.done $0x0  }
0xa8: {  	[sflag:s23] =	ssyncadd.s32 $0xFFFFC000  }
0xa9: {  	_ =	swait.ge [sflag:s21], $0x4000  }
0xaa: {  	[sflag:s21] =	ssyncset.done $0x0  }
0xab: {  	s11 =	simm.s32 $0x1400;
	[sflag:s21] =	ssyncadd.s32 $0xFFFFC000  }
0xac: {  	[tilespmem:s29], [sflag:$0x2] =	stream.indirect.gather [spmem:s2], $0x10, s11, s26, $0xb8;
	[tilespmem:$0x1E480] =	vst v63  }
0xad: {  	s12 =	simm.s32 $0x3800  }
0xae: {  	[spmem:s3] =	stream.indirect.scatter.add.f32 [tilespmem:s28], [sflag:$0x3], $0x10, s12, s26, $0xb8;
	[tilespmem:$0x1E480] =	vst v63  }
0xaf: {  	_ =	swait.ge [sflag:s23], $0x4000  }
0xb0: {  	[sflag:s23] =	ssyncset.done $0x0  }
0xb1: {  	[sflag:s23] =	ssyncadd.s32 $0xFFFFC000  }
0xb2: {  	_ =	swait.ge [sflag:s30], $0x4000  }
0xb3: {  	[sflag:s30] =	ssyncset.done $0x0  }
0xb4: {  	s31 =	simm.s32 $0x1800;
	[sflag:s30] =	ssyncadd.s32 $0xFFFFC000  }
0xb5: {  	[tilespmem:s28], [sflag:$0x1] =	stream.indirect.gather [spmem:s2], $0x10, s31, s26, $0xb8;
	[tilespmem:$0x1E480] =	vst v63  }
0xb6: {  	s6 =	simm.s32 $0x3C00  }
0xb7: {  	[spmem:s3] =	stream.indirect.scatter.add.f32 [tilespmem:s29], [sflag:$0x3], $0x10, s6, s26, $0xb8;
	[tilespmem:$0x1E480] =	vst v63  }
0xb8: {  	_ =	swait.ge [sflag:s23], $0x4000  }
0xb9: {  	[sflag:s23] =	ssyncset.done $0x0  }
0xba: {  	[sflag:s23] =	ssyncadd.s32 $0xFFFFC000  }
0xbb: {  	_ =	swait.ge [sflag:s21], $0x4000  }
0xbc: {  	[sflag:s21] =	ssyncset.done $0x0  }
0xbd: {  	s7 =	simm.s32 $0x1C00;
	[sflag:s21] =	ssyncadd.s32 $0xFFFFC000  }
0xbe: {  	[tilespmem:s29], [sflag:$0x2] =	stream.indirect.gather [spmem:s2], $0x10, s7, s26, $0xb8;
	[tilespmem:$0x1E480] =	vst v63  }
0xbf: {  	s8 =	simm.s32 $0x4000  }
0xc0: {  	[spmem:s3] =	stream.indirect.scatter.add.f32 [tilespmem:s28], [sflag:$0x3], $0x10, s8, s26, $0xb8;
	[tilespmem:$0x1E480] =	vst v63  }
0xc1: {  	_ =	swait.ge [sflag:s23], $0x4000  }
0xc2: {  	[sflag:s23] =	ssyncset.done $0x0  }
0xc3: {  	[sflag:s23] =	ssyncadd.s32 $0xFFFFC000  }
0xc4: {  	_ =	swait.ge [sflag:s30], $0x4000  }
0xc5: {  	[sflag:s30] =	ssyncset.done $0x0  }
0xc6: {  	s9 =	simm.s32 $0x2000;
	[sflag:s30] =	ssyncadd.s32 $0xFFFFC000  }
0xc7: {  	[tilespmem:s28], [sflag:$0x1] =	stream.indirect.gather [spmem:s2], $0x10, s9, s26, $0xb8;
	[tilespmem:$0x1E480] =	vst v63  }
0xc8: {  	s10 =	simm.s32 $0x4400  }
0xc9: {  	[spmem:s3] =	stream.indirect.scatter.add.f32 [tilespmem:s29], [sflag:$0x3], $0x10, s10, s26, $0xb8;
	[tilespmem:$0x1E480] =	vst v63  }
0xca: {  	_ =	swait.ge [sflag:s23], $0x4000  }
0xcb: {  	[sflag:s23] =	ssyncset.done $0x0  }
0xcc: {  	[sflag:s23] =	ssyncadd.s32 $0xFFFFC000  }
0xcd: {  	_ =	swait.ge [sflag:s21], $0x4000  }
0xce: {  	[sflag:s21] =	ssyncset.done $0x0  }
0xcf: {  	s11 =	simm.s32 $0x2400;
	[sflag:s21] =	ssyncadd.s32 $0xFFFFC000  }
0xd0: {  	[tilespmem:s29], [sflag:$0x2] =	stream.indirect.gather [spmem:s2], $0x10, s11, s26, $0xb8;
	[tilespmem:$0x1E480] =	vst v63  }
0xd1: {  	s12 =	simm.s32 $0x4800  }
0xd2: {  	[spmem:s3] =	stream.indirect.scatter.add.f32 [tilespmem:s28], [sflag:$0x3], $0x10, s12, s26, $0xb8;
	[tilespmem:$0x1E480] =	vst v63  }
0xd3: {  	_ =	swait.ge [sflag:s23], $0x4000  }
0xd4: {  	[sflag:s23] =	ssyncset.done $0x0  }
0xd5: {  	[sflag:s23] =	ssyncadd.s32 $0xFFFFC000  }
0xd6: {  	_ =	swait.ge [sflag:s30], $0x4000  }
0xd7: {  	[sflag:s30] =	ssyncset.done $0x0  }
0xd8: {  	s31 =	simm.s32 $0x4C00;
	[sflag:s30] =	ssyncadd.s32 $0xFFFFC000  }
0xd9: {  	[spmem:s3] =	stream.indirect.scatter.add.f32 [tilespmem:s29], [sflag:$0x3], $0x10, s31, s26, $0xb8;
	[tilespmem:$0x1E480] =	vst v63  }
0xda: {  	_ =	swait.ge [sflag:s23], $0x4000  }
0xdb: {  	[sflag:s23] =	ssyncset.done $0x0  }
0xdc: {  	[sflag:s23] =	ssyncadd.s32 $0xFFFFC000  }
0xdd: {  	[bflag:$0x0] =	sbarrier.arrive $0xFFFF  }
0xde: {  	[tilespmem:s17], [sflag:$0x3] =	stream.linear.gather [spmem:s14], $0x2780, $0x38;
	[tilespmem:$0x1E480] =	vst v63  }
0xdf: {  	_ =	swait.ge [sflag:s23], $0x2780  }
0xe0: {  	s0 =	sadd.s32 $0x1, s0;
	[sflag:s23] =	ssyncset.done $0x0  }
0xe1: {  	p1 =	sne.s32 s0, s16;
	[sflag:s23] =	ssyncadd.s32 $0xFFFFD880  }
0xe2: {  	[hbm4b:s24+s4] =	stream.linear.scatter [tilespmem:s17], [sflag:$0x3], $0x2780, $0x38;
	[tilespmem:$0x1E480] =	vst v63  }
.Ltmp4:
0xe3: {  	_ = 	snop;
	(pc) =	sbr.rel @p1 .LBB2_1-.Ltmp4, $4  }
.Ltmp5:
0xe4: {  	_ = 	snop;
	(pc) =	sbr.rel @!p1 .LBB2_9-.Ltmp5, $4  }
0xe5: {  	_ =	swait.ge [sflag:s23], $0x2780  }
0xe6: {  	[sflag:s23] =	ssyncset.done $0x0  }
0xe7: {  	[sflag:s23] =	ssyncadd.s32 $0xFFFFD880  }
0xe8: {  	_ = 	snop  }
.LBB2_2:
.Ltmp6:
0xe9: {  	(pc) =	sbr.rel .LBB2_6-.Ltmp6, $2  }
0xea: {  	_ =	sdelay $0x2  }
0xeb: {  	s8 =	simm.s32 $0xF780;
	s9 =	simm.s32 $0x11F00;
	s7 =	simm.s32 $0xD000  }
.LBB2_4:
.Ltmp7:
0xec: {  	(pc) =	sbr.rel .LBB2_6-.Ltmp7, $2  }
0xed: {  	_ =	sdelay $0x2  }
0xee: {  	s8 =	simm.s32 $0xF780;
	s9 =	simm.s32 $0x11F00;
	s7 =	simm.s32 $0xD000  }
.LBB2_9:
0xef: {  	_ =	sfence.sel $0x180000  }
0xf0: {  	[bflag:$0x0] =	sbarrier.arrive $0xFFFF  }
0xf1: {  	_ =	strace $0x9000004A  }
0xf2: {  	s0 =	stileid.u32;
	[bflag:$0x2] =	sbarrier.arrive $0xFFFF  }
0xf3: {  	p0 =	sne.s32 s0, $0x0;
	s0 =	rddreg [dreg:$0x4]  }
0xf4: {  	s0 =	sadd.s32 @!p0 $0x100000, s0  }
0xf5: {  	[sflag:s0] =	ssyncadd.tile.s32 @!p0 $0x1;
	_ =	shalt  }
.Lfunc_end2:
_tile_overlayer_lowered:
.L_overlay_start_2:
0xf6: {  	(tag) =	ssettag $0x2  }
0xf7: {  	s0 =	rddreg [dreg:$0x0];
	s2 =	stileid.u32  }
0xf8: {  	s1 =	rddreg [dreg:$0x1];
	p0 =	sne.s32 s2, $0x0  }
0xf9: {  	s3 =	rddreg [dreg:$0x2];
	[bflag:$0x3] =	sbarrier.arrive $0xFFFF;
	s2 =	simm.s32 @!p0 $0x1C03  }
0xfa: {  	[timem:s3], [sflag:s2] =	dma.local @!p0 [hbm:s0], s1  }
0xfb: {  	s0 =	simm.s32 @!p0 $0x3  }
0xfc: {  	_ =	swait.ge @!p0 [sflag:s0], s1  }
0xfd: {  	s1 =	ssub.s32 @!p0 $0x0, s1;
	[sflag:s0] =	ssyncset.done @!p0 $0x0  }
0xfe: {  	[sflag:s0] =	ssyncadd.s32 @!p0 s1  }
0xff: {  	[bflag:$0x3] =	sbarrier.arrive $0xFFFF  }
0x100: {  	_ =	shalt  }

</sc_bundles>
